<compile_context>
chip_gen: v7x
topology: tpu7x:2x2x1
jax: 0.10.2.dev20260603
libtpu: 0.0.44.dev20260713+nightly
codegen_flags: <defaults>
</compile_context>

<pallas_src>
import functools

import jax
import jax.numpy as jnp
from jax import lax
from jax.experimental import pallas as pl
from jax.experimental.pallas import tpu as pltpu
from jax.experimental.pallas import tpu_sc as plsc

_HI = jax.lax.Precision.HIGHEST

_NC = 1
_NS = 16
_NW = _NC * _NS


def _make_scatter(SP, EP):
    EPW = EP // _NW
    R = EPW // 128
    NSLAB = 5
    SROWS = SP // NSLAB
    SLABW = SROWS * SP
    NZ = SLABW // _NS
    f32 = jnp.float32

    @functools.partial(
        pl.kernel,
        out_type=jax.ShapeDtypeStruct((SP * SP,), f32),
        mesh=plsc.VectorSubcoreMesh(core_axis_name="c", subcore_axis_name="s",
                                    num_cores=_NC),
        scratch_types=[
            pltpu.VMEM((EPW,), jnp.int32),
            pltpu.VMEM((EPW,), jnp.int32),
            pltpu.VMEM((R, 128), jnp.int32),
            pltpu.VMEM((R, 128), f32),
            pltpu.VMEM((NZ,), f32),
            pltpu.VMEM_SHARED((SLABW + 128,), f32),
        ],
    )
    def scatter(src_hbm, dst_hbm, out_hbm, src_v, dst_v, idx_v, val_v,
                bb_v, slab_sh):
        c = lax.axis_index("c")
        s = lax.axis_index("s")
        wid = s * _NC + c

        base = wid * EPW
        pltpu.sync_copy(src_hbm.at[pl.ds(base, EPW)], src_v)
        pltpu.sync_copy(dst_hbm.at[pl.ds(base, EPW)], dst_v)

        def slab(k, _):
            lo = k * SROWS
            hi = lo + SROWS

            def zb(i, _):
                bb_v[pl.ds(i * 16, 16)] = jnp.zeros((16,), f32)
                return 0
            lax.fori_loop(0, NZ // 16, zb, 0)
            pltpu.sync_copy(bb_v, slab_sh.at[pl.ds(s * NZ, NZ)])

            for j in range(R):
                def cv(l, _):
                    sl = pl.ds(j * 128 + l * 16, 16)
                    sv = src_v[sl]
                    dv = dst_v[sl]
                    inb = jnp.logical_and(sv >= lo, sv < hi)
                    keep = jnp.logical_and(inb, sv != dv)
                    idx_v[j, pl.ds(l * 16, 16)] = jnp.where(
                        inb, (sv - lo) * SP + dv, SLABW)
                    val_v[j, pl.ds(l * 16, 16)] = jnp.where(
                        keep, f32(1.0), f32(0.0))
                    return 0
                lax.fori_loop(0, 8, cv, 0)

            plsc.subcore_barrier()
            for j in range(R):
                pltpu.sync_copy(val_v.at[j], slab_sh.at[idx_v.at[j]],
                                add=True)
            plsc.subcore_barrier()

            pltpu.sync_copy(slab_sh.at[pl.ds(s * NZ, NZ)], bb_v)
            pltpu.sync_copy(bb_v, out_hbm.at[pl.ds(k * SLABW + s * NZ, NZ)])
            plsc.subcore_barrier()
            return 0

        lax.fori_loop(0, NSLAB, slab, 0)

    return scatter


def _norm_kernel(dt_ref, at_ref, ah_ref, al_ref):
    dt = dt_ref[...]
    deg = jnp.sum(dt, axis=1, keepdims=True)
    dis = jnp.where(deg > 0, 1.0 / jnp.sqrt(jnp.maximum(deg, 1e-12)), 0.0)
    at = -(dis * dt) * jnp.transpose(dis)
    at_ref[...] = at
    ah = at.astype(jnp.bfloat16)
    ah_ref[...] = ah
    al_ref[...] = (at - ah.astype(jnp.float32)).astype(jnp.bfloat16)


def _prop_kernel(ah_ref, al_ref, x_ref, p_ref):
    xb = x_ref[0]
    T, CW, SP = xb.shape
    x = xb.reshape(T * CW, SP)
    xh = x.astype(jnp.bfloat16)
    xl = (x - xh.astype(jnp.float32)).astype(jnp.bfloat16)
    res = (jnp.dot(xh, ah_ref[...], preferred_element_type=jnp.float32)
           + jnp.dot(xh, al_ref[...], preferred_element_type=jnp.float32)
           + jnp.dot(xl, ah_ref[...], preferred_element_type=jnp.float32))
    p_ref[0] = res.reshape(T, CW, SP)


def _rec_kernel(at_ref, x_ref, p_ref,
                w01_ref, wxg_ref, whh_ref, fc_ref,
                bih_ref, bhh_ref, cb_ref, fb_ref,
                out_ref, h_ref, pr_ref, xct_ref, pct_ref, *, B, NK, T, HID):
    t = pl.program_id(0)
    f32 = jnp.float32
    SP = at_ref.shape[0]
    CW = x_ref.shape[2]
    pred = t >= NK

    @pl.when(t == 0)
    def _():
        h_ref[...] = jnp.zeros_like(h_ref)
        xct_ref[...] = jnp.zeros_like(xct_ref)
        pct_ref[...] = jnp.zeros_like(pct_ref)

    @pl.when(pred)
    def _():
        def fill(b, _):
            xc = (jnp.dot(fc_ref[...], h_ref[b], preferred_element_type=f32,
                          precision=_HI) + fb_ref[...])[0:1, :]
            xct_ref[pl.ds(b, 1), :] = xc
            return 0
        jax.lax.fori_loop(0, B, fill, 0)
        pct_ref[...] = jnp.dot(xct_ref[...], at_ref[...],
                               preferred_element_type=f32, precision=_HI)

    sub_x = jax.lax.broadcasted_iota(jnp.int32, (CW, SP), 0)
    sub8 = jax.lax.broadcasted_iota(jnp.int32, (8, SP), 0)
    i_out = t - (NK - 1)
    pm = jnp.where(pred, 1.0, 0.0).astype(f32)
    H = HID
    bf = jnp.bfloat16

    def split(w):
        wh = w.astype(bf)
        return wh, (w - wh.astype(f32)).astype(bf)

    w01h, w01l = split(w01_ref[...])
    wxgh, wxgl = split(wxg_ref[...])
    whhh, whhl = split(whh_ref[...])

    def d3(wh, wl, v):
        vh = v.astype(bf)
        vl = (v - vh.astype(f32)).astype(bf)
        return (jnp.dot(wh, vh, preferred_element_type=f32)
                + jnp.dot(wh, vl, preferred_element_type=f32)
                + jnp.dot(wl, vh, preferred_element_type=f32))

    def body(b, _):
        h = h_ref[b]
        xb = x_ref[b, 0]
        pb = p_ref[b, 0]
        xcur = xct_ref[pl.ds(b, 1), :]
        pcb = pct_ref[pl.ds(b, 1), :]
        xf = jnp.where(jnp.logical_and(sub_x == 0, pred), xcur, xb)
        xp = jnp.concatenate([xf, pb], axis=0)
        xg = jax.nn.sigmoid(
            d3(w01h, w01l, xp)
            + w01_ref[:, CW:CW + 1] * (pm * pcb) + cb_ref[...])
        gx = jnp.concatenate([xf, xg], axis=0)
        gi = d3(wxgh, wxgl, gx) + bih_ref[...]
        gh = d3(whhh, whhl, h) + bhh_ref[...]
        r = jax.nn.sigmoid(gi[:H] + gh[:H])
        z = jax.nn.sigmoid(gi[H:2 * H] + gh[H:2 * H])
        n = jnp.tanh(gi[2 * H:] + r * gh[2 * H:])
        hn = (1.0 - z) * n + z * h
        h_ref[b] = hn
        xo = (jnp.dot(fc_ref[...], hn, preferred_element_type=f32,
                      precision=_HI) + fb_ref[...])[0:1, :]
        pr_ref[b] = jnp.where(sub8 == i_out, xo, pr_ref[b])
        return 0

    jax.lax.fori_loop(0, B, body, 0)

    @pl.when(t == T - 1)
    def _():
        out_ref[...] = pr_ref[...]


def kernel(x_hist, enc_misc, dec, edge_index, cheb_W, cheb_b,
           W_ih, W_hh, b_ih, b_hh, fc_W, fc_b):
    f32 = jnp.float32
    B, HIST, S, OUT = x_hist.shape
    FM = enc_misc.shape[-1]
    PRED = dec.shape[1]
    IN = OUT + FM
    GNN = cheb_W.shape[2]
    HID = W_hh.shape[1]
    NK = HIST
    NP = PRED - 1
    T = HIST - 1 + PRED
    SP = (S + 127) // 128 * 128
    CW = 16

    features = jnp.concatenate([enc_misc, dec], axis=1)

    xk = jnp.concatenate([x_hist, features[:, 1:NK + 1]], axis=-1)
    xk = jnp.pad(xk.transpose(0, 1, 3, 2),
                 ((0, 0), (0, 0), (0, CW - IN), (0, SP - S)))
    fp = jnp.pad(features[:, NK + 1:].transpose(0, 1, 3, 2),
                 ((0, 0), (0, 0), (1, CW - FM - 1), (0, SP - S)))
    xall = jnp.concatenate([xk, fp], axis=1)

    E = edge_index.shape[1]
    EP = -(-E // (_NW * 128)) * (_NW * 128)
    epad = jnp.pad(edge_index, ((0, 0), (0, EP - E)))
    DT = _make_scatter(SP, EP)(epad[0], epad[1]).reshape(SP, SP)

    AT, AH, AL = pl.pallas_call(
        _norm_kernel,
        out_shape=[jax.ShapeDtypeStruct((SP, SP), f32),
                   jax.ShapeDtypeStruct((SP, SP), jnp.bfloat16),
                   jax.ShapeDtypeStruct((SP, SP), jnp.bfloat16)],
    )(DT)

    pall = pl.pallas_call(
        _prop_kernel,
        grid=(B,),
        in_specs=[
            pl.BlockSpec((SP, SP), lambda b: (0, 0)),
            pl.BlockSpec((SP, SP), lambda b: (0, 0)),
            pl.BlockSpec((1, T, CW, SP), lambda b: (b, 0, 0, 0)),
        ],
        out_specs=pl.BlockSpec((1, T, CW, SP), lambda b: (b, 0, 0, 0)),
        out_shape=jax.ShapeDtypeStruct((B, T, CW, SP), f32),
        compiler_params=pltpu.CompilerParams(
            dimension_semantics=("parallel",)),
    )(AH, AL, xall)

    W0 = jnp.pad(cheb_W[0].T, ((0, 0), (0, CW - IN)))
    W1 = jnp.pad(cheb_W[1].T, ((0, 0), (0, CW - IN)))
    w01 = jnp.concatenate([W0, W1], axis=1)
    Wx = jnp.pad(W_ih[:, :IN], ((0, 0), (0, CW - IN)))
    wxg = jnp.concatenate([Wx, W_ih[:, IN:]], axis=1)
    Whh = W_hh
    fc = jnp.pad(fc_W, ((0, 8 - OUT), (0, 0)))
    fb = jnp.pad(fc_b[:, None], ((0, 8 - OUT), (0, 0)))
    bih = b_ih[:, None]
    bhh = b_hh[:, None]
    cb = cheb_b[:, None]

    def full(shape):
        return pl.BlockSpec(shape, lambda t: (0,) * len(shape))

    rec = functools.partial(_rec_kernel, B=B, NK=NK, T=T, HID=HID)
    out = pl.pallas_call(
        rec,
        grid=(T,),
        in_specs=[
            full((SP, SP)),
            pl.BlockSpec((B, 1, CW, SP), lambda t: (0, t, 0, 0)),
            pl.BlockSpec((B, 1, CW, SP), lambda t: (0, t, 0, 0)),
            full(w01.shape), full(wxg.shape), full(Whh.shape), full(fc.shape),
            full(bih.shape), full(bhh.shape), full(cb.shape), full(fb.shape),
        ],
        out_specs=pl.BlockSpec((B, 8, SP), lambda t: (0, 0, 0)),
        out_shape=jax.ShapeDtypeStruct((B, 8, SP), f32),
        scratch_shapes=[
            pltpu.VMEM((B, HID, SP), f32),
            pltpu.VMEM((B, 8, SP), f32),
            pltpu.VMEM((B, SP), f32),
            pltpu.VMEM((B, SP), f32),
        ],
    )(AT, xall, pall, w01, wxg, Whh, fc, bih, bhh, cb, fb)

    preds = out[:, :PRED, :S]
    return preds[..., None]

# --- scband reference (transcript-rebuilt; emitter-appended) ---
"""Pipeline reference for scband-gc-gru-57088705298508 (READ-ONLY COPY).

The authoritative reference and input builder live on the scoring server;
editing this copy changes nothing except your own understanding.
"""

import jax, jax.numpy as jnp
import numpy as np

B = 32
S = 1250
HIST = 12
PRED = 6
OUT = 1
FM = 12
IN = OUT + FM  # 13
GNN = 32
HID = 64
K = 2
DEG = 16
E = S * DEG
N = B * S
LAM = 2.0  # PyG ChebConv default lambda_max for 'sym' normalization


def setup_inputs(seed: int = 0) -> dict:
    key = jax.random.key(seed)
    ks = jax.random.split(key, 10)
    x_hist = jax.random.normal(ks[0], (B, HIST, S, OUT), dtype=jnp.float32)
    enc_misc = jax.random.normal(ks[1], (B, HIST, S, FM), dtype=jnp.float32)
    dec = jax.random.normal(ks[2], (B, PRED, S, FM), dtype=jnp.float32)
    edge_index = jax.random.randint(ks[3], (2, E), 0, S, dtype=jnp.int32)
    cheb_W = jax.random.normal(ks[4], (K, IN, GNN), dtype=jnp.float32) * 0.1
    cheb_b = jnp.zeros((GNN,), dtype=jnp.float32)
    W_ih = jax.random.normal(ks[5], (3 * HID, IN + GNN), dtype=jnp.float32) * 0.1
    W_hh = jax.random.normal(ks[6], (3 * HID, HID), dtype=jnp.float32) * 0.1
    b_ih = jnp.zeros((3 * HID,), dtype=jnp.float32)
    b_hh = jnp.zeros((3 * HID,), dtype=jnp.float32)
    fc_W = jax.random.normal(ks[7], (OUT, HID), dtype=jnp.float32) * 0.1
    fc_b = jnp.zeros((OUT,), dtype=jnp.float32)
    return {
        'x_hist': x_hist, 'enc_misc': enc_misc, 'dec': dec,
        'edge_index': edge_index,
        'cheb_W': cheb_W, 'cheb_b': cheb_b,
        'W_ih': W_ih, 'W_hh': W_hh, 'b_ih': b_ih, 'b_hh': b_hh,
        'fc_W': fc_W, 'fc_b': fc_b,
    }


def reference(x_hist, enc_misc, dec, edge_index, cheb_W, cheb_b, W_ih, W_hh, b_ih, b_hh, fc_W, fc_b):
    # features = cat([enc_misc, dec], dim=time)
    features = jnp.concatenate([enc_misc, dec], axis=1)  # [B, HIST+PRED, S, FM]

    # Batched block-diagonal edge_index (as built in __init__)
    offs = (jnp.arange(B, dtype=edge_index.dtype) * S)
    src = (edge_index[0][None, :] + offs[:, None]).reshape(-1)
    dst = (edge_index[1][None, :] + offs[:, None]).reshape(-1)
    # remove_self_loops via zero-weight masking (equivalent under sum-aggregation)
    w = (edge_index[0] != edge_index[1]).astype(jnp.float32)
    wB = jnp.tile(w, B)

    # ChebConv 'sym' norm: L~ = 2/lam * (I - D^-1/2 A D^-1/2) - I
    deg = jax.ops.segment_sum(wB, src, num_segments=N)
    dis = jnp.where(deg > 0, 1.0 / jnp.sqrt(jnp.maximum(deg, 1e-12)), 0.0)
    coef = 2.0 / LAM
    norm_e = -coef * dis[src] * wB * dis[dst]
    diag_w = coef - 1.0  # = 0 when lambda_max == 2

    def prop(xx):
        msg = norm_e[:, None] * xx[src]
        return jax.ops.segment_sum(msg, dst, num_segments=N) + diag_w * xx

    def cheb(xx):
        Tx0 = xx
        out = Tx0 @ cheb_W[0]
        Tx1 = prop(Tx0)
        out = out + Tx1 @ cheb_W[1]
        for k in range(2, cheb_W.shape[0]):
            Tx2 = 2.0 * prop(Tx1) - Tx0
            out = out + Tx2 @ cheb_W[k]
            Tx0, Tx1 = Tx1, Tx2
        return out + cheb_b

    def gru(x, h):
        gi = x @ W_ih.T + b_ih
        gh = h @ W_hh.T + b_hh
        ir, iz, inn = jnp.split(gi, 3, axis=-1)
        hr, hz, hn = jnp.split(gh, 3, axis=-1)
        r = jax.nn.sigmoid(ir + hr)
        z = jax.nn.sigmoid(iz + hz)
        n = jnp.tanh(inn + r * hn)
        return (1.0 - z) * n + z * h

    h = jnp.zeros((N, HID), dtype=jnp.float32)
    for t in range(1, HIST):
        x = jnp.concatenate([x_hist[:, t - 1], features[:, t]], axis=-1).reshape(N, IN)
        xg = jax.nn.sigmoid(cheb(x))
        h = gru(jnp.concatenate([x, xg], axis=-1), h)

    xcur = x_hist[:, -1]  # [B, S, OUT]
    preds = []
    for i in range(PRED):
        x = jnp.concatenate([xcur, features[:, HIST + i]], axis=-1).reshape(N, IN)
        xg = jax.nn.sigmoid(cheb(x))
        h = gru(jnp.concatenate([x, xg], axis=-1), h)
        xcur = h.reshape(B, S, HID) @ fc_W.T + fc_b
        preds.append(xcur)
    return jnp.stack(preds, axis=1)  # [B, PRED, S, OUT]

if __name__ == "__main__":
    import jax
    _d = setup_inputs()
    print(jax.jit(kernel)(*tuple(_d.values())))

</pallas_src>

<mosaic_0001>
#map = affine_map<(d0, d1) -> (0)>
module attributes {stable_mosaic.version = 14 : i64} {
  func.func @scatter(%arg0: i32, %arg1: i32, %arg2: memref<20480xi32, #tpu.memory_space<hbm>>, %arg3: memref<20480xi32, #tpu.memory_space<hbm>>, %arg4: memref<1638400xf32, #tpu.memory_space<hbm>>, %arg5: memref<1280xi32, #tpu.memory_space<vmem>>, %arg6: memref<1280xi32, #tpu.memory_space<vmem>>, %arg7: memref<10x128xi32, #tpu.memory_space<vmem>>, %arg8: memref<10x128xf32, #tpu.memory_space<vmem>>, %arg9: memref<20480xf32, #tpu.memory_space<vmem>>, %arg10: memref<327808xf32, #tpu.memory_space<vmem_shared>>) attributes {dimension_semantics = [#tpu.dimension_semantics<core_parallel>, #tpu.dimension_semantics<subcore_parallel>], iteration_bounds = array<i64: 1, 16>, scalar_prefetch = 0 : i64, scratch_operands = 6 : i64, tpu.core_type = #tpu.core_type<sc_vector_subcore>, window_params = [{transform_indices = #map}, {transform_indices = #map}, {transform_indices = #map}]} {
    %mul3A = arith.constant 1 : i32
    %mul3A_0 = arith.muli %arg1, %mul3A : i32
    %add3A = arith.addi %mul3A_0, %arg0 : i32
    %mul3A_1 = arith.constant 1280 : i32
    %mul3A_2 = arith.muli %add3A, %mul3A_1 : i32
    "tpu.region"() ({
      %run_scoped3A = tpu.sem_alloc : memref<!tpu.dma_semaphore, #tpu.memory_space<semaphore_mem>>
      %dma_start3A = tpu.memref_slice %arg2[%mul3A_2] : memref<20480xi32, #tpu.memory_space<hbm>> -> memref<1280xi32, #tpu.memory_space<hbm>>
      %dma_start3A_9 = tpu.memref_slice %arg2[%mul3A_2] : memref<20480xi32, #tpu.memory_space<hbm>> -> memref<1280xi32, #tpu.memory_space<hbm>>
      tpu.enqueue_dma source(%dma_start3A_9 : memref<1280xi32, #tpu.memory_space<hbm>>) target(%arg5 : memref<1280xi32, #tpu.memory_space<vmem>>) target_semaphore(%run_scoped3A : memref<!tpu.dma_semaphore, #tpu.memory_space<semaphore_mem>>)
      %dma_wait3A = tpu.memref_slice %arg2[%mul3A_2] : memref<20480xi32, #tpu.memory_space<hbm>> -> memref<1280xi32, #tpu.memory_space<hbm>>
      %dma_wait3A_10 = tpu.memref_slice %arg2[%mul3A_2] : memref<20480xi32, #tpu.memory_space<hbm>> -> memref<1280xi32, #tpu.memory_space<hbm>>
      tpu.wait_dma2 semaphore(%run_scoped3A : memref<!tpu.dma_semaphore, #tpu.memory_space<semaphore_mem>>) src(%dma_wait3A_10 : memref<1280xi32, #tpu.memory_space<hbm>>) dst(%arg5 : memref<1280xi32, #tpu.memory_space<vmem>>)
      tpu.yield
    }) : () -> ()
    "tpu.region"() ({
      %run_scoped3A = tpu.sem_alloc : memref<!tpu.dma_semaphore, #tpu.memory_space<semaphore_mem>>
      %dma_start3A = tpu.memref_slice %arg3[%mul3A_2] : memref<20480xi32, #tpu.memory_space<hbm>> -> memref<1280xi32, #tpu.memory_space<hbm>>
      %dma_start3A_9 = tpu.memref_slice %arg3[%mul3A_2] : memref<20480xi32, #tpu.memory_space<hbm>> -> memref<1280xi32, #tpu.memory_space<hbm>>
      tpu.enqueue_dma source(%dma_start3A_9 : memref<1280xi32, #tpu.memory_space<hbm>>) target(%arg6 : memref<1280xi32, #tpu.memory_space<vmem>>) target_semaphore(%run_scoped3A : memref<!tpu.dma_semaphore, #tpu.memory_space<semaphore_mem>>)
      %dma_wait3A = tpu.memref_slice %arg3[%mul3A_2] : memref<20480xi32, #tpu.memory_space<hbm>> -> memref<1280xi32, #tpu.memory_space<hbm>>
      %dma_wait3A_10 = tpu.memref_slice %arg3[%mul3A_2] : memref<20480xi32, #tpu.memory_space<hbm>> -> memref<1280xi32, #tpu.memory_space<hbm>>
      tpu.wait_dma2 semaphore(%run_scoped3A : memref<!tpu.dma_semaphore, #tpu.memory_space<semaphore_mem>>) src(%dma_wait3A_10 : memref<1280xi32, #tpu.memory_space<hbm>>) dst(%arg6 : memref<1280xi32, #tpu.memory_space<vmem>>)
      tpu.yield
    }) : () -> ()
    %scan3A = arith.constant 0 : i32
    %scan3A_3 = arith.constant 0 : i32
    %scan3A_4 = arith.constant 5 : i32
    %scan3A_5 = arith.addi %scan3A_3, %scan3A_4 : i32
    %scan3A_6 = arith.constant 1 : i32
    %scan3A_7 = scf.for %scan3A_9 = %scan3A_3 to %scan3A_5 step %scan3A_6 iter_args(%scan3A_10 = %scan3A) -> (i32)  : i32 {
      %mul3A_11 = arith.constant 256 : i32
      %mul3A_12 = arith.muli %scan3A_9, %mul3A_11 : i32
      %add3A_13 = arith.constant 256 : i32
      %add3A_14 = arith.addi %mul3A_12, %add3A_13 : i32
      %scan3A_15 = arith.constant 0 : i32
      %scan3A_16 = arith.constant 0 : i32
      %scan3A_17 = arith.constant 1280 : i32
      %scan3A_18 = arith.addi %scan3A_16, %scan3A_17 : i32
      %scan3A_19 = arith.constant 1 : i32
      %scan3A_20 = scf.for %scan3A_123 = %scan3A_16 to %scan3A_18 step %scan3A_19 iter_args(%scan3A_124 = %scan3A_15) -> (i32)  : i32 {
        %broadcast_in_dim3A = arith.constant 0.000000e+00 : f32
        %broadcast_in_dim3A_125 = vector.broadcast %broadcast_in_dim3A : f32 to vector<16xf32>
        %mul3A_126 = arith.constant 16 : i32
        %mul3A_127 = arith.muli %scan3A_123, %mul3A_126 : i32
        %swap3A = arith.index_cast %mul3A_127 : i32 to index
        %swap3A_128 = tpu.vector_load %arg9[%swap3A] {strides = array<i32>} : memref<20480xf32, #tpu.memory_space<vmem>>, vector<16xf32>,
        %swap3A_129 = vector.shape_cast %swap3A_128 : vector<16xf32> to vector<16xf32>
        %swap3A_130 = vector.shape_cast %broadcast_in_dim3A_125 : vector<16xf32> to vector<16xf32>
        tpu.vector_store %arg9[%swap3A], %swap3A_130 {strides = array<i32>} : memref<20480xf32, #tpu.memory_space<vmem>>, vector<16xf32>,
        %scan3A_131 = arith.constant 0 : i32
        scf.yield %scan3A_131 : i32
      }
      %scan3A_21 = arith.constant 1280 : i32
      %mul3A_22 = arith.constant 20480 : i32
      %mul3A_23 = arith.muli %arg1, %mul3A_22 : i32
      "tpu.region"() ({
        %run_scoped3A_123 = tpu.sem_alloc : memref<!tpu.dma_semaphore, #tpu.memory_space<semaphore_mem>>
        %dma_start3A = tpu.memref_slice %arg10[%mul3A_23] : memref<327808xf32, #tpu.memory_space<vmem_shared>> -> memref<20480xf32, #tpu.memory_space<vmem_shared>>
        %dma_start3A_124 = tpu.memref_slice %arg10[%mul3A_23] : memref<327808xf32, #tpu.memory_space<vmem_shared>> -> memref<20480xf32, #tpu.memory_space<vmem_shared>>
        tpu.enqueue_dma source(%arg9 : memref<20480xf32, #tpu.memory_space<vmem>>) target(%dma_start3A_124 : memref<20480xf32, #tpu.memory_space<vmem_shared>>) target_semaphore(%run_scoped3A_123 : memref<!tpu.dma_semaphore, #tpu.memory_space<semaphore_mem>>)
        %dma_wait3A = tpu.memref_slice %arg10[%mul3A_23] : memref<327808xf32, #tpu.memory_space<vmem_shared>> -> memref<20480xf32, #tpu.memory_space<vmem_shared>>
        %dma_wait3A_125 = tpu.memref_slice %arg10[%mul3A_23] : memref<327808xf32, #tpu.memory_space<vmem_shared>> -> memref<20480xf32, #tpu.memory_space<vmem_shared>>
        tpu.wait_dma2 semaphore(%run_scoped3A_123 : memref<!tpu.dma_semaphore, #tpu.memory_space<semaphore_mem>>) src(%arg9 : memref<20480xf32, #tpu.memory_space<vmem>>) dst(%dma_wait3A_125 : memref<20480xf32, #tpu.memory_space<vmem_shared>>)
        tpu.yield
      }) : () -> ()
      %scan3A_24 = arith.constant 0 : i32
      %scan3A_25 = arith.constant 0 : i32
      %scan3A_26 = arith.constant 8 : i32
      %scan3A_27 = arith.addi %scan3A_25, %scan3A_26 : i32
      %scan3A_28 = arith.constant 1 : i32
      %scan3A_29 = scf.for %scan3A_123 = %scan3A_25 to %scan3A_27 step %scan3A_28 iter_args(%scan3A_124 = %scan3A_24) -> (i32)  : i32 {
        %mul3A_125 = arith.constant 16 : i32
        %mul3A_126 = arith.muli %scan3A_123, %mul3A_125 : i32
        %add3A_127 = arith.constant 0 : i32
        %add3A_128 = arith.addi %add3A_127, %mul3A_126 : i32
        %get3A = arith.index_cast %add3A_128 : i32 to index
        %get3A_129 = tpu.vector_load %arg5[%get3A] {strides = array<i32>} : memref<1280xi32, #tpu.memory_space<vmem>>, vector<16xi32>,
        %get3A_130 = vector.shape_cast %get3A_129 : vector<16xi32> to vector<16xi32>
        %get3A_131 = arith.index_cast %add3A_128 : i32 to index
        %get3A_132 = tpu.vector_load %arg6[%get3A_131] {strides = array<i32>} : memref<1280xi32, #tpu.memory_space<vmem>>, vector<16xi32>,
        %get3A_133 = vector.shape_cast %get3A_132 : vector<16xi32> to vector<16xi32>
        %ge3A = vector.broadcast %mul3A_12 : i32 to vector<16xi32>
        %ge3A_134 = arith.cmpi sge, %get3A_130, %ge3A : vector<16xi32>
        %lt3A = vector.broadcast %add3A_14 : i32 to vector<16xi32>
        %lt3A_135 = arith.cmpi slt, %get3A_130, %lt3A : vector<16xi32>
        %and3A = arith.andi %ge3A_134, %lt3A_135 : vector<16xi1>
        %ne3A = arith.cmpi ne, %get3A_130, %get3A_133 : vector<16xi32>
        %and3A_136 = arith.andi %and3A, %ne3A : vector<16xi1>
        %sub3A = vector.broadcast %mul3A_12 : i32 to vector<16xi32>
        %sub3A_137 = arith.subi %get3A_130, %sub3A : vector<16xi32>
        %mul3A_138 = arith.constant 1280 : i32
        %mul3A_139 = vector.broadcast %mul3A_138 : i32 to vector<16xi32>
        %mul3A_140 = arith.muli %sub3A_137, %mul3A_139 : vector<16xi32>
        %add3A_141 = arith.addi %mul3A_140, %get3A_133 : vector<16xi32>
        %jit3A = arith.constant 327680 : i32
        %broadcast_in_dim3A = vector.broadcast %jit3A : i32 to vector<16xi32>
        %select_n3A = arith.select %and3A, %add3A_141, %broadcast_in_dim3A : vector<16xi1>, vector<16xi32>
        %mul3A_142 = arith.constant 16 : i32
        %mul3A_143 = arith.muli %scan3A_123, %mul3A_142 : i32
        %swap3A = arith.constant 0 : i32
        %swap3A_144 = arith.index_cast %swap3A : i32 to index
        %swap3A_145 = arith.index_cast %mul3A_143 : i32 to index
        %swap3A_146 = tpu.vector_load %arg7[%swap3A_144, %swap3A_145] {strides = array<i32>} : memref<10x128xi32, #tpu.memory_space<vmem>>, vector<1x16xi32>,
        %swap3A_147 = vector.shape_cast %swap3A_146 : vector<1x16xi32> to vector<16xi32>
        %swap3A_148 = vector.shape_cast %select_n3A : vector<16xi32> to vector<1x16xi32>
        tpu.vector_store %arg7[%swap3A_144, %swap3A_145], %swap3A_148 {strides = array<i32>} : memref<10x128xi32, #tpu.memory_space<vmem>>, vector<1x16xi32>,
        %jit3A_149 = arith.constant 1.000000e+00 : f32
        %jit3A_150 = arith.constant 0.000000e+00 : f32
        %broadcast_in_dim3A_151 = vector.broadcast %jit3A_149 : f32 to vector<16xf32>
        %broadcast_in_dim3A_152 = vector.broadcast %jit3A_150 : f32 to vector<16xf32>
        %select_n3A_153 = arith.select %and3A_136, %broadcast_in_dim3A_151, %broadcast_in_dim3A_152 : vector<16xi1>, vector<16xf32>
        %mul3A_154 = arith.constant 16 : i32
        %mul3A_155 = arith.muli %scan3A_123, %mul3A_154 : i32
        %swap3A_156 = arith.constant 0 : i32
        %swap3A_157 = arith.index_cast %swap3A_156 : i32 to index
        %swap3A_158 = arith.index_cast %mul3A_155 : i32 to index
        %swap3A_159 = tpu.vector_load %arg8[%swap3A_157, %swap3A_158] {strides = array<i32>} : memref<10x128xf32, #tpu.memory_space<vmem>>, vector<1x16xf32>,
        %swap3A_160 = vector.shape_cast %swap3A_159 : vector<1x16xf32> to vector<16xf32>
        %swap3A_161 = vector.shape_cast %select_n3A_153 : vector<16xf32> to vector<1x16xf32>
        tpu.vector_store %arg8[%swap3A_157, %swap3A_158], %swap3A_161 {strides = array<i32>} : memref<10x128xf32, #tpu.memory_space<vmem>>, vector<1x16xf32>,
        %scan3A_162 = arith.constant 0 : i32
        scf.yield %scan3A_162 : i32
      }
      %scan3A_30 = arith.constant 8 : i32
      %scan3A_31 = arith.constant 0 : i32
      %scan3A_32 = arith.constant 0 : i32
      %scan3A_33 = arith.constant 8 : i32
      %scan3A_34 = arith.addi %scan3A_32, %scan3A_33 : i32
      %scan3A_35 = arith.constant 1 : i32
      %scan3A_36 = scf.for %scan3A_123 = %scan3A_32 to %scan3A_34 step %scan3A_35 iter_args(%scan3A_124 = %scan3A_31) -> (i32)  : i32 {
        %mul3A_125 = arith.constant 16 : i32
        %mul3A_126 = arith.muli %scan3A_123, %mul3A_125 : i32
        %add3A_127 = arith.constant 128 : i32
        %add3A_128 = arith.addi %add3A_127, %mul3A_126 : i32
        %get3A = arith.index_cast %add3A_128 : i32 to index
        %get3A_129 = tpu.vector_load %arg5[%get3A] {strides = array<i32>} : memref<1280xi32, #tpu.memory_space<vmem>>, vector<16xi32>,
        %get3A_130 = vector.shape_cast %get3A_129 : vector<16xi32> to vector<16xi32>
        %get3A_131 = arith.index_cast %add3A_128 : i32 to index
        %get3A_132 = tpu.vector_load %arg6[%get3A_131] {strides = array<i32>} : memref<1280xi32, #tpu.memory_space<vmem>>, vector<16xi32>,
        %get3A_133 = vector.shape_cast %get3A_132 : vector<16xi32> to vector<16xi32>
        %ge3A = vector.broadcast %mul3A_12 : i32 to vector<16xi32>
        %ge3A_134 = arith.cmpi sge, %get3A_130, %ge3A : vector<16xi32>
        %lt3A = vector.broadcast %add3A_14 : i32 to vector<16xi32>
        %lt3A_135 = arith.cmpi slt, %get3A_130, %lt3A : vector<16xi32>
        %and3A = arith.andi %ge3A_134, %lt3A_135 : vector<16xi1>
        %ne3A = arith.cmpi ne, %get3A_130, %get3A_133 : vector<16xi32>
        %and3A_136 = arith.andi %and3A, %ne3A : vector<16xi1>
        %sub3A = vector.broadcast %mul3A_12 : i32 to vector<16xi32>
        %sub3A_137 = arith.subi %get3A_130, %sub3A : vector<16xi32>
        %mul3A_138 = arith.constant 1280 : i32
        %mul3A_139 = vector.broadcast %mul3A_138 : i32 to vector<16xi32>
        %mul3A_140 = arith.muli %sub3A_137, %mul3A_139 : vector<16xi32>
        %add3A_141 = arith.addi %mul3A_140, %get3A_133 : vector<16xi32>
        %jit3A = arith.constant 327680 : i32
        %broadcast_in_dim3A = vector.broadcast %jit3A : i32 to vector<16xi32>
        %select_n3A = arith.select %and3A, %add3A_141, %broadcast_in_dim3A : vector<16xi1>, vector<16xi32>
        %mul3A_142 = arith.constant 16 : i32
        %mul3A_143 = arith.muli %scan3A_123, %mul3A_142 : i32
        %swap3A = arith.constant 1 : i32
        %swap3A_144 = arith.index_cast %swap3A : i32 to index
        %swap3A_145 = arith.index_cast %mul3A_143 : i32 to index
        %swap3A_146 = tpu.vector_load %arg7[%swap3A_144, %swap3A_145] {strides = array<i32>} : memref<10x128xi32, #tpu.memory_space<vmem>>, vector<1x16xi32>,
        %swap3A_147 = vector.shape_cast %swap3A_146 : vector<1x16xi32> to vector<16xi32>
        %swap3A_148 = vector.shape_cast %select_n3A : vector<16xi32> to vector<1x16xi32>
        tpu.vector_store %arg7[%swap3A_144, %swap3A_145], %swap3A_148 {strides = array<i32>} : memref<10x128xi32, #tpu.memory_space<vmem>>, vector<1x16xi32>,
        %jit3A_149 = arith.constant 1.000000e+00 : f32
        %jit3A_150 = arith.constant 0.000000e+00 : f32
        %broadcast_in_dim3A_151 = vector.broadcast %jit3A_149 : f32 to vector<16xf32>
        %broadcast_in_dim3A_152 = vector.broadcast %jit3A_150 : f32 to vector<16xf32>
        %select_n3A_153 = arith.select %and3A_136, %broadcast_in_dim3A_151, %broadcast_in_dim3A_152 : vector<16xi1>, vector<16xf32>
        %mul3A_154 = arith.constant 16 : i32
        %mul3A_155 = arith.muli %scan3A_123, %mul3A_154 : i32
        %swap3A_156 = arith.constant 1 : i32
        %swap3A_157 = arith.index_cast %swap3A_156 : i32 to index
        %swap3A_158 = arith.index_cast %mul3A_155 : i32 to index
        %swap3A_159 = tpu.vector_load %arg8[%swap3A_157, %swap3A_158] {strides = array<i32>} : memref<10x128xf32, #tpu.memory_space<vmem>>, vector<1x16xf32>,
        %swap3A_160 = vector.shape_cast %swap3A_159 : vector<1x16xf32> to vector<16xf32>
        %swap3A_161 = vector.shape_cast %select_n3A_153 : vector<16xf32> to vector<1x16xf32>
        tpu.vector_store %arg8[%swap3A_157, %swap3A_158], %swap3A_161 {strides = array<i32>} : memref<10x128xf32, #tpu.memory_space<vmem>>, vector<1x16xf32>,
        %scan3A_162 = arith.constant 0 : i32
        scf.yield %scan3A_162 : i32
      }
      %scan3A_37 = arith.constant 8 : i32
      %scan3A_38 = arith.constant 0 : i32
      %scan3A_39 = arith.constant 0 : i32
      %scan3A_40 = arith.constant 8 : i32
      %scan3A_41 = arith.addi %scan3A_39, %scan3A_40 : i32
      %scan3A_42 = arith.constant 1 : i32
      %scan3A_43 = scf.for %scan3A_123 = %scan3A_39 to %scan3A_41 step %scan3A_42 iter_args(%scan3A_124 = %scan3A_38) -> (i32)  : i32 {
        %mul3A_125 = arith.constant 16 : i32
        %mul3A_126 = arith.muli %scan3A_123, %mul3A_125 : i32
        %add3A_127 = arith.constant 256 : i32
        %add3A_128 = arith.addi %add3A_127, %mul3A_126 : i32
        %get3A = arith.index_cast %add3A_128 : i32 to index
        %get3A_129 = tpu.vector_load %arg5[%get3A] {strides = array<i32>} : memref<1280xi32, #tpu.memory_space<vmem>>, vector<16xi32>,
        %get3A_130 = vector.shape_cast %get3A_129 : vector<16xi32> to vector<16xi32>
        %get3A_131 = arith.index_cast %add3A_128 : i32 to index
        %get3A_132 = tpu.vector_load %arg6[%get3A_131] {strides = array<i32>} : memref<1280xi32, #tpu.memory_space<vmem>>, vector<16xi32>,
        %get3A_133 = vector.shape_cast %get3A_132 : vector<16xi32> to vector<16xi32>
        %ge3A = vector.broadcast %mul3A_12 : i32 to vector<16xi32>
        %ge3A_134 = arith.cmpi sge, %get3A_130, %ge3A : vector<16xi32>
        %lt3A = vector.broadcast %add3A_14 : i32 to vector<16xi32>
        %lt3A_135 = arith.cmpi slt, %get3A_130, %lt3A : vector<16xi32>
        %and3A = arith.andi %ge3A_134, %lt3A_135 : vector<16xi1>
        %ne3A = arith.cmpi ne, %get3A_130, %get3A_133 : vector<16xi32>
        %and3A_136 = arith.andi %and3A, %ne3A : vector<16xi1>
        %sub3A = vector.broadcast %mul3A_12 : i32 to vector<16xi32>
        %sub3A_137 = arith.subi %get3A_130, %sub3A : vector<16xi32>
        %mul3A_138 = arith.constant 1280 : i32
        %mul3A_139 = vector.broadcast %mul3A_138 : i32 to vector<16xi32>
        %mul3A_140 = arith.muli %sub3A_137, %mul3A_139 : vector<16xi32>
        %add3A_141 = arith.addi %mul3A_140, %get3A_133 : vector<16xi32>
        %jit3A = arith.constant 327680 : i32
        %broadcast_in_dim3A = vector.broadcast %jit3A : i32 to vector<16xi32>
        %select_n3A = arith.select %and3A, %add3A_141, %broadcast_in_dim3A : vector<16xi1>, vector<16xi32>
        %mul3A_142 = arith.constant 16 : i32
        %mul3A_143 = arith.muli %scan3A_123, %mul3A_142 : i32
        %swap3A = arith.constant 2 : i32
        %swap3A_144 = arith.index_cast %swap3A : i32 to index
        %swap3A_145 = arith.index_cast %mul3A_143 : i32 to index
        %swap3A_146 = tpu.vector_load %arg7[%swap3A_144, %swap3A_145] {strides = array<i32>} : memref<10x128xi32, #tpu.memory_space<vmem>>, vector<1x16xi32>,
        %swap3A_147 = vector.shape_cast %swap3A_146 : vector<1x16xi32> to vector<16xi32>
        %swap3A_148 = vector.shape_cast %select_n3A : vector<16xi32> to vector<1x16xi32>
        tpu.vector_store %arg7[%swap3A_144, %swap3A_145], %swap3A_148 {strides = array<i32>} : memref<10x128xi32, #tpu.memory_space<vmem>>, vector<1x16xi32>,
        %jit3A_149 = arith.constant 1.000000e+00 : f32
        %jit3A_150 = arith.constant 0.000000e+00 : f32
        %broadcast_in_dim3A_151 = vector.broadcast %jit3A_149 : f32 to vector<16xf32>
        %broadcast_in_dim3A_152 = vector.broadcast %jit3A_150 : f32 to vector<16xf32>
        %select_n3A_153 = arith.select %and3A_136, %broadcast_in_dim3A_151, %broadcast_in_dim3A_152 : vector<16xi1>, vector<16xf32>
        %mul3A_154 = arith.constant 16 : i32
        %mul3A_155 = arith.muli %scan3A_123, %mul3A_154 : i32
        %swap3A_156 = arith.constant 2 : i32
        %swap3A_157 = arith.index_cast %swap3A_156 : i32 to index
        %swap3A_158 = arith.index_cast %mul3A_155 : i32 to index
        %swap3A_159 = tpu.vector_load %arg8[%swap3A_157, %swap3A_158] {strides = array<i32>} : memref<10x128xf32, #tpu.memory_space<vmem>>, vector<1x16xf32>,
        %swap3A_160 = vector.shape_cast %swap3A_159 : vector<1x16xf32> to vector<16xf32>
        %swap3A_161 = vector.shape_cast %select_n3A_153 : vector<16xf32> to vector<1x16xf32>
        tpu.vector_store %arg8[%swap3A_157, %swap3A_158], %swap3A_161 {strides = array<i32>} : memref<10x128xf32, #tpu.memory_space<vmem>>, vector<1x16xf32>,
        %scan3A_162 = arith.constant 0 : i32
        scf.yield %scan3A_162 : i32
      }
      %scan3A_44 = arith.constant 8 : i32
      %scan3A_45 = arith.constant 0 : i32
      %scan3A_46 = arith.constant 0 : i32
      %scan3A_47 = arith.constant 8 : i32
      %scan3A_48 = arith.addi %scan3A_46, %scan3A_47 : i32
      %scan3A_49 = arith.constant 1 : i32
      %scan3A_50 = scf.for %scan3A_123 = %scan3A_46 to %scan3A_48 step %scan3A_49 iter_args(%scan3A_124 = %scan3A_45) -> (i32)  : i32 {
        %mul3A_125 = arith.constant 16 : i32
        %mul3A_126 = arith.muli %scan3A_123, %mul3A_125 : i32
        %add3A_127 = arith.constant 384 : i32
        %add3A_128 = arith.addi %add3A_127, %mul3A_126 : i32
        %get3A = arith.index_cast %add3A_128 : i32 to index
        %get3A_129 = tpu.vector_load %arg5[%get3A] {strides = array<i32>} : memref<1280xi32, #tpu.memory_space<vmem>>, vector<16xi32>,
        %get3A_130 = vector.shape_cast %get3A_129 : vector<16xi32> to vector<16xi32>
        %get3A_131 = arith.index_cast %add3A_128 : i32 to index
        %get3A_132 = tpu.vector_load %arg6[%get3A_131] {strides = array<i32>} : memref<1280xi32, #tpu.memory_space<vmem>>, vector<16xi32>,
        %get3A_133 = vector.shape_cast %get3A_132 : vector<16xi32> to vector<16xi32>
        %ge3A = vector.broadcast %mul3A_12 : i32 to vector<16xi32>
        %ge3A_134 = arith.cmpi sge, %get3A_130, %ge3A : vector<16xi32>
        %lt3A = vector.broadcast %add3A_14 : i32 to vector<16xi32>
        %lt3A_135 = arith.cmpi slt, %get3A_130, %lt3A : vector<16xi32>
        %and3A = arith.andi %ge3A_134, %lt3A_135 : vector<16xi1>
        %ne3A = arith.cmpi ne, %get3A_130, %get3A_133 : vector<16xi32>
        %and3A_136 = arith.andi %and3A, %ne3A : vector<16xi1>
        %sub3A = vector.broadcast %mul3A_12 : i32 to vector<16xi32>
        %sub3A_137 = arith.subi %get3A_130, %sub3A : vector<16xi32>
        %mul3A_138 = arith.constant 1280 : i32
        %mul3A_139 = vector.broadcast %mul3A_138 : i32 to vector<16xi32>
        %mul3A_140 = arith.muli %sub3A_137, %mul3A_139 : vector<16xi32>
        %add3A_141 = arith.addi %mul3A_140, %get3A_133 : vector<16xi32>
        %jit3A = arith.constant 327680 : i32
        %broadcast_in_dim3A = vector.broadcast %jit3A : i32 to vector<16xi32>
        %select_n3A = arith.select %and3A, %add3A_141, %broadcast_in_dim3A : vector<16xi1>, vector<16xi32>
        %mul3A_142 = arith.constant 16 : i32
        %mul3A_143 = arith.muli %scan3A_123, %mul3A_142 : i32
        %swap3A = arith.constant 3 : i32
        %swap3A_144 = arith.index_cast %swap3A : i32 to index
        %swap3A_145 = arith.index_cast %mul3A_143 : i32 to index
        %swap3A_146 = tpu.vector_load %arg7[%swap3A_144, %swap3A_145] {strides = array<i32>} : memref<10x128xi32, #tpu.memory_space<vmem>>, vector<1x16xi32>,
        %swap3A_147 = vector.shape_cast %swap3A_146 : vector<1x16xi32> to vector<16xi32>
        %swap3A_148 = vector.shape_cast %select_n3A : vector<16xi32> to vector<1x16xi32>
        tpu.vector_store %arg7[%swap3A_144, %swap3A_145], %swap3A_148 {strides = array<i32>} : memref<10x128xi32, #tpu.memory_space<vmem>>, vector<1x16xi32>,
        %jit3A_149 = arith.constant 1.000000e+00 : f32
        %jit3A_150 = arith.constant 0.000000e+00 : f32
        %broadcast_in_dim3A_151 = vector.broadcast %jit3A_149 : f32 to vector<16xf32>
        %broadcast_in_dim3A_152 = vector.broadcast %jit3A_150 : f32 to vector<16xf32>
        %select_n3A_153 = arith.select %and3A_136, %broadcast_in_dim3A_151, %broadcast_in_dim3A_152 : vector<16xi1>, vector<16xf32>
        %mul3A_154 = arith.constant 16 : i32
        %mul3A_155 = arith.muli %scan3A_123, %mul3A_154 : i32
        %swap3A_156 = arith.constant 3 : i32
        %swap3A_157 = arith.index_cast %swap3A_156 : i32 to index
        %swap3A_158 = arith.index_cast %mul3A_155 : i32 to index
        %swap3A_159 = tpu.vector_load %arg8[%swap3A_157, %swap3A_158] {strides = array<i32>} : memref<10x128xf32, #tpu.memory_space<vmem>>, vector<1x16xf32>,
        %swap3A_160 = vector.shape_cast %swap3A_159 : vector<1x16xf32> to vector<16xf32>
        %swap3A_161 = vector.shape_cast %select_n3A_153 : vector<16xf32> to vector<1x16xf32>
        tpu.vector_store %arg8[%swap3A_157, %swap3A_158], %swap3A_161 {strides = array<i32>} : memref<10x128xf32, #tpu.memory_space<vmem>>, vector<1x16xf32>,
        %scan3A_162 = arith.constant 0 : i32
        scf.yield %scan3A_162 : i32
      }
      %scan3A_51 = arith.constant 8 : i32
      %scan3A_52 = arith.constant 0 : i32
      %scan3A_53 = arith.constant 0 : i32
      %scan3A_54 = arith.constant 8 : i32
      %scan3A_55 = arith.addi %scan3A_53, %scan3A_54 : i32
      %scan3A_56 = arith.constant 1 : i32
      %scan3A_57 = scf.for %scan3A_123 = %scan3A_53 to %scan3A_55 step %scan3A_56 iter_args(%scan3A_124 = %scan3A_52) -> (i32)  : i32 {
        %mul3A_125 = arith.constant 16 : i32
        %mul3A_126 = arith.muli %scan3A_123, %mul3A_125 : i32
        %add3A_127 = arith.constant 512 : i32
        %add3A_128 = arith.addi %add3A_127, %mul3A_126 : i32
        %get3A = arith.index_cast %add3A_128 : i32 to index
        %get3A_129 = tpu.vector_load %arg5[%get3A] {strides = array<i32>} : memref<1280xi32, #tpu.memory_space<vmem>>, vector<16xi32>,
        %get3A_130 = vector.shape_cast %get3A_129 : vector<16xi32> to vector<16xi32>
        %get3A_131 = arith.index_cast %add3A_128 : i32 to index
        %get3A_132 = tpu.vector_load %arg6[%get3A_131] {strides = array<i32>} : memref<1280xi32, #tpu.memory_space<vmem>>, vector<16xi32>,
        %get3A_133 = vector.shape_cast %get3A_132 : vector<16xi32> to vector<16xi32>
        %ge3A = vector.broadcast %mul3A_12 : i32 to vector<16xi32>
        %ge3A_134 = arith.cmpi sge, %get3A_130, %ge3A : vector<16xi32>
        %lt3A = vector.broadcast %add3A_14 : i32 to vector<16xi32>
        %lt3A_135 = arith.cmpi slt, %get3A_130, %lt3A : vector<16xi32>
        %and3A = arith.andi %ge3A_134, %lt3A_135 : vector<16xi1>
        %ne3A = arith.cmpi ne, %get3A_130, %get3A_133 : vector<16xi32>
        %and3A_136 = arith.andi %and3A, %ne3A : vector<16xi1>
        %sub3A = vector.broadcast %mul3A_12 : i32 to vector<16xi32>
        %sub3A_137 = arith.subi %get3A_130, %sub3A : vector<16xi32>
        %mul3A_138 = arith.constant 1280 : i32
        %mul3A_139 = vector.broadcast %mul3A_138 : i32 to vector<16xi32>
        %mul3A_140 = arith.muli %sub3A_137, %mul3A_139 : vector<16xi32>
        %add3A_141 = arith.addi %mul3A_140, %get3A_133 : vector<16xi32>
        %jit3A = arith.constant 327680 : i32
        %broadcast_in_dim3A = vector.broadcast %jit3A : i32 to vector<16xi32>
        %select_n3A = arith.select %and3A, %add3A_141, %broadcast_in_dim3A : vector<16xi1>, vector<16xi32>
        %mul3A_142 = arith.constant 16 : i32
        %mul3A_143 = arith.muli %scan3A_123, %mul3A_142 : i32
        %swap3A = arith.constant 4 : i32
        %swap3A_144 = arith.index_cast %swap3A : i32 to index
        %swap3A_145 = arith.index_cast %mul3A_143 : i32 to index
        %swap3A_146 = tpu.vector_load %arg7[%swap3A_144, %swap3A_145] {strides = array<i32>} : memref<10x128xi32, #tpu.memory_space<vmem>>, vector<1x16xi32>,
        %swap3A_147 = vector.shape_cast %swap3A_146 : vector<1x16xi32> to vector<16xi32>
        %swap3A_148 = vector.shape_cast %select_n3A : vector<16xi32> to vector<1x16xi32>
        tpu.vector_store %arg7[%swap3A_144, %swap3A_145], %swap3A_148 {strides = array<i32>} : memref<10x128xi32, #tpu.memory_space<vmem>>, vector<1x16xi32>,
        %jit3A_149 = arith.constant 1.000000e+00 : f32
        %jit3A_150 = arith.constant 0.000000e+00 : f32
        %broadcast_in_dim3A_151 = vector.broadcast %jit3A_149 : f32 to vector<16xf32>
        %broadcast_in_dim3A_152 = vector.broadcast %jit3A_150 : f32 to vector<16xf32>
        %select_n3A_153 = arith.select %and3A_136, %broadcast_in_dim3A_151, %broadcast_in_dim3A_152 : vector<16xi1>, vector<16xf32>
        %mul3A_154 = arith.constant 16 : i32
        %mul3A_155 = arith.muli %scan3A_123, %mul3A_154 : i32
        %swap3A_156 = arith.constant 4 : i32
        %swap3A_157 = arith.index_cast %swap3A_156 : i32 to index
        %swap3A_158 = arith.index_cast %mul3A_155 : i32 to index
        %swap3A_159 = tpu.vector_load %arg8[%swap3A_157, %swap3A_158] {strides = array<i32>} : memref<10x128xf32, #tpu.memory_space<vmem>>, vector<1x16xf32>,
        %swap3A_160 = vector.shape_cast %swap3A_159 : vector<1x16xf32> to vector<16xf32>
        %swap3A_161 = vector.shape_cast %select_n3A_153 : vector<16xf32> to vector<1x16xf32>
        tpu.vector_store %arg8[%swap3A_157, %swap3A_158], %swap3A_161 {strides = array<i32>} : memref<10x128xf32, #tpu.memory_space<vmem>>, vector<1x16xf32>,
        %scan3A_162 = arith.constant 0 : i32
        scf.yield %scan3A_162 : i32
      }
      %scan3A_58 = arith.constant 8 : i32
      %scan3A_59 = arith.constant 0 : i32
      %scan3A_60 = arith.constant 0 : i32
      %scan3A_61 = arith.constant 8 : i32
      %scan3A_62 = arith.addi %scan3A_60, %scan3A_61 : i32
      %scan3A_63 = arith.constant 1 : i32
      %scan3A_64 = scf.for %scan3A_123 = %scan3A_60 to %scan3A_62 step %scan3A_63 iter_args(%scan3A_124 = %scan3A_59) -> (i32)  : i32 {
        %mul3A_125 = arith.constant 16 : i32
        %mul3A_126 = arith.muli %scan3A_123, %mul3A_125 : i32
        %add3A_127 = arith.constant 640 : i32
        %add3A_128 = arith.addi %add3A_127, %mul3A_126 : i32
        %get3A = arith.index_cast %add3A_128 : i32 to index
        %get3A_129 = tpu.vector_load %arg5[%get3A] {strides = array<i32>} : memref<1280xi32, #tpu.memory_space<vmem>>, vector<16xi32>,
        %get3A_130 = vector.shape_cast %get3A_129 : vector<16xi32> to vector<16xi32>
        %get3A_131 = arith.index_cast %add3A_128 : i32 to index
        %get3A_132 = tpu.vector_load %arg6[%get3A_131] {strides = array<i32>} : memref<1280xi32, #tpu.memory_space<vmem>>, vector<16xi32>,
        %get3A_133 = vector.shape_cast %get3A_132 : vector<16xi32> to vector<16xi32>
        %ge3A = vector.broadcast %mul3A_12 : i32 to vector<16xi32>
        %ge3A_134 = arith.cmpi sge, %get3A_130, %ge3A : vector<16xi32>
        %lt3A = vector.broadcast %add3A_14 : i32 to vector<16xi32>
        %lt3A_135 = arith.cmpi slt, %get3A_130, %lt3A : vector<16xi32>
        %and3A = arith.andi %ge3A_134, %lt3A_135 : vector<16xi1>
        %ne3A = arith.cmpi ne, %get3A_130, %get3A_133 : vector<16xi32>
        %and3A_136 = arith.andi %and3A, %ne3A : vector<16xi1>
        %sub3A = vector.broadcast %mul3A_12 : i32 to vector<16xi32>
        %sub3A_137 = arith.subi %get3A_130, %sub3A : vector<16xi32>
        %mul3A_138 = arith.constant 1280 : i32
        %mul3A_139 = vector.broadcast %mul3A_138 : i32 to vector<16xi32>
        %mul3A_140 = arith.muli %sub3A_137, %mul3A_139 : vector<16xi32>
        %add3A_141 = arith.addi %mul3A_140, %get3A_133 : vector<16xi32>
        %jit3A = arith.constant 327680 : i32
        %broadcast_in_dim3A = vector.broadcast %jit3A : i32 to vector<16xi32>
        %select_n3A = arith.select %and3A, %add3A_141, %broadcast_in_dim3A : vector<16xi1>, vector<16xi32>
        %mul3A_142 = arith.constant 16 : i32
        %mul3A_143 = arith.muli %scan3A_123, %mul3A_142 : i32
        %swap3A = arith.constant 5 : i32
        %swap3A_144 = arith.index_cast %swap3A : i32 to index
        %swap3A_145 = arith.index_cast %mul3A_143 : i32 to index
        %swap3A_146 = tpu.vector_load %arg7[%swap3A_144, %swap3A_145] {strides = array<i32>} : memref<10x128xi32, #tpu.memory_space<vmem>>, vector<1x16xi32>,
        %swap3A_147 = vector.shape_cast %swap3A_146 : vector<1x16xi32> to vector<16xi32>
        %swap3A_148 = vector.shape_cast %select_n3A : vector<16xi32> to vector<1x16xi32>
        tpu.vector_store %arg7[%swap3A_144, %swap3A_145], %swap3A_148 {strides = array<i32>} : memref<10x128xi32, #tpu.memory_space<vmem>>, vector<1x16xi32>,
        %jit3A_149 = arith.constant 1.000000e+00 : f32
        %jit3A_150 = arith.constant 0.000000e+00 : f32
        %broadcast_in_dim3A_151 = vector.broadcast %jit3A_149 : f32 to vector<16xf32>
        %broadcast_in_dim3A_152 = vector.broadcast %jit3A_150 : f32 to vector<16xf32>
        %select_n3A_153 = arith.select %and3A_136, %broadcast_in_dim3A_151, %broadcast_in_dim3A_152 : vector<16xi1>, vector<16xf32>
        %mul3A_154 = arith.constant 16 : i32
        %mul3A_155 = arith.muli %scan3A_123, %mul3A_154 : i32
        %swap3A_156 = arith.constant 5 : i32
        %swap3A_157 = arith.index_cast %swap3A_156 : i32 to index
        %swap3A_158 = arith.index_cast %mul3A_155 : i32 to index
        %swap3A_159 = tpu.vector_load %arg8[%swap3A_157, %swap3A_158] {strides = array<i32>} : memref<10x128xf32, #tpu.memory_space<vmem>>, vector<1x16xf32>,
        %swap3A_160 = vector.shape_cast %swap3A_159 : vector<1x16xf32> to vector<16xf32>
        %swap3A_161 = vector.shape_cast %select_n3A_153 : vector<16xf32> to vector<1x16xf32>
        tpu.vector_store %arg8[%swap3A_157, %swap3A_158], %swap3A_161 {strides = array<i32>} : memref<10x128xf32, #tpu.memory_space<vmem>>, vector<1x16xf32>,
        %scan3A_162 = arith.constant 0 : i32
        scf.yield %scan3A_162 : i32
      }
      %scan3A_65 = arith.constant 8 : i32
      %scan3A_66 = arith.constant 0 : i32
      %scan3A_67 = arith.constant 0 : i32
      %scan3A_68 = arith.constant 8 : i32
      %scan3A_69 = arith.addi %scan3A_67, %scan3A_68 : i32
      %scan3A_70 = arith.constant 1 : i32
      %scan3A_71 = scf.for %scan3A_123 = %scan3A_67 to %scan3A_69 step %scan3A_70 iter_args(%scan3A_124 = %scan3A_66) -> (i32)  : i32 {
        %mul3A_125 = arith.constant 16 : i32
        %mul3A_126 = arith.muli %scan3A_123, %mul3A_125 : i32
        %add3A_127 = arith.constant 768 : i32
        %add3A_128 = arith.addi %add3A_127, %mul3A_126 : i32
        %get3A = arith.index_cast %add3A_128 : i32 to index
        %get3A_129 = tpu.vector_load %arg5[%get3A] {strides = array<i32>} : memref<1280xi32, #tpu.memory_space<vmem>>, vector<16xi32>,
        %get3A_130 = vector.shape_cast %get3A_129 : vector<16xi32> to vector<16xi32>
        %get3A_131 = arith.index_cast %add3A_128 : i32 to index
        %get3A_132 = tpu.vector_load %arg6[%get3A_131] {strides = array<i32>} : memref<1280xi32, #tpu.memory_space<vmem>>, vector<16xi32>,
        %get3A_133 = vector.shape_cast %get3A_132 : vector<16xi32> to vector<16xi32>
        %ge3A = vector.broadcast %mul3A_12 : i32 to vector<16xi32>
        %ge3A_134 = arith.cmpi sge, %get3A_130, %ge3A : vector<16xi32>
        %lt3A = vector.broadcast %add3A_14 : i32 to vector<16xi32>
        %lt3A_135 = arith.cmpi slt, %get3A_130, %lt3A : vector<16xi32>
        %and3A = arith.andi %ge3A_134, %lt3A_135 : vector<16xi1>
        %ne3A = arith.cmpi ne, %get3A_130, %get3A_133 : vector<16xi32>
        %and3A_136 = arith.andi %and3A, %ne3A : vector<16xi1>
        %sub3A = vector.broadcast %mul3A_12 : i32 to vector<16xi32>
        %sub3A_137 = arith.subi %get3A_130, %sub3A : vector<16xi32>
        %mul3A_138 = arith.constant 1280 : i32
        %mul3A_139 = vector.broadcast %mul3A_138 : i32 to vector<16xi32>
        %mul3A_140 = arith.muli %sub3A_137, %mul3A_139 : vector<16xi32>
        %add3A_141 = arith.addi %mul3A_140, %get3A_133 : vector<16xi32>
        %jit3A = arith.constant 327680 : i32
        %broadcast_in_dim3A = vector.broadcast %jit3A : i32 to vector<16xi32>
        %select_n3A = arith.select %and3A, %add3A_141, %broadcast_in_dim3A : vector<16xi1>, vector<16xi32>
        %mul3A_142 = arith.constant 16 : i32
        %mul3A_143 = arith.muli %scan3A_123, %mul3A_142 : i32
        %swap3A = arith.constant 6 : i32
        %swap3A_144 = arith.index_cast %swap3A : i32 to index
        %swap3A_145 = arith.index_cast %mul3A_143 : i32 to index
        %swap3A_146 = tpu.vector_load %arg7[%swap3A_144, %swap3A_145] {strides = array<i32>} : memref<10x128xi32, #tpu.memory_space<vmem>>, vector<1x16xi32>,
        %swap3A_147 = vector.shape_cast %swap3A_146 : vector<1x16xi32> to vector<16xi32>
        %swap3A_148 = vector.shape_cast %select_n3A : vector<16xi32> to vector<1x16xi32>
        tpu.vector_store %arg7[%swap3A_144, %swap3A_145], %swap3A_148 {strides = array<i32>} : memref<10x128xi32, #tpu.memory_space<vmem>>, vector<1x16xi32>,
        %jit3A_149 = arith.constant 1.000000e+00 : f32
        %jit3A_150 = arith.constant 0.000000e+00 : f32
        %broadcast_in_dim3A_151 = vector.broadcast %jit3A_149 : f32 to vector<16xf32>
        %broadcast_in_dim3A_152 = vector.broadcast %jit3A_150 : f32 to vector<16xf32>
        %select_n3A_153 = arith.select %and3A_136, %broadcast_in_dim3A_151, %broadcast_in_dim3A_152 : vector<16xi1>, vector<16xf32>
        %mul3A_154 = arith.constant 16 : i32
        %mul3A_155 = arith.muli %scan3A_123, %mul3A_154 : i32
        %swap3A_156 = arith.constant 6 : i32
        %swap3A_157 = arith.index_cast %swap3A_156 : i32 to index
        %swap3A_158 = arith.index_cast %mul3A_155 : i32 to index
        %swap3A_159 = tpu.vector_load %arg8[%swap3A_157, %swap3A_158] {strides = array<i32>} : memref<10x128xf32, #tpu.memory_space<vmem>>, vector<1x16xf32>,
        %swap3A_160 = vector.shape_cast %swap3A_159 : vector<1x16xf32> to vector<16xf32>
        %swap3A_161 = vector.shape_cast %select_n3A_153 : vector<16xf32> to vector<1x16xf32>
        tpu.vector_store %arg8[%swap3A_157, %swap3A_158], %swap3A_161 {strides = array<i32>} : memref<10x128xf32, #tpu.memory_space<vmem>>, vector<1x16xf32>,
        %scan3A_162 = arith.constant 0 : i32
        scf.yield %scan3A_162 : i32
      }
      %scan3A_72 = arith.constant 8 : i32
      %scan3A_73 = arith.constant 0 : i32
      %scan3A_74 = arith.constant 0 : i32
      %scan3A_75 = arith.constant 8 : i32
      %scan3A_76 = arith.addi %scan3A_74, %scan3A_75 : i32
      %scan3A_77 = arith.constant 1 : i32
      %scan3A_78 = scf.for %scan3A_123 = %scan3A_74 to %scan3A_76 step %scan3A_77 iter_args(%scan3A_124 = %scan3A_73) -> (i32)  : i32 {
        %mul3A_125 = arith.constant 16 : i32
        %mul3A_126 = arith.muli %scan3A_123, %mul3A_125 : i32
        %add3A_127 = arith.constant 896 : i32
        %add3A_128 = arith.addi %add3A_127, %mul3A_126 : i32
        %get3A = arith.index_cast %add3A_128 : i32 to index
        %get3A_129 = tpu.vector_load %arg5[%get3A] {strides = array<i32>} : memref<1280xi32, #tpu.memory_space<vmem>>, vector<16xi32>,
        %get3A_130 = vector.shape_cast %get3A_129 : vector<16xi32> to vector<16xi32>
        %get3A_131 = arith.index_cast %add3A_128 : i32 to index
        %get3A_132 = tpu.vector_load %arg6[%get3A_131] {strides = array<i32>} : memref<1280xi32, #tpu.memory_space<vmem>>, vector<16xi32>,
        %get3A_133 = vector.shape_cast %get3A_132 : vector<16xi32> to vector<16xi32>
        %ge3A = vector.broadcast %mul3A_12 : i32 to vector<16xi32>
        %ge3A_134 = arith.cmpi sge, %get3A_130, %ge3A : vector<16xi32>
        %lt3A = vector.broadcast %add3A_14 : i32 to vector<16xi32>
        %lt3A_135 = arith.cmpi slt, %get3A_130, %lt3A : vector<16xi32>
        %and3A = arith.andi %ge3A_134, %lt3A_135 : vector<16xi1>
        %ne3A = arith.cmpi ne, %get3A_130, %get3A_133 : vector<16xi32>
        %and3A_136 = arith.andi %and3A, %ne3A : vector<16xi1>
        %sub3A = vector.broadcast %mul3A_12 : i32 to vector<16xi32>
        %sub3A_137 = arith.subi %get3A_130, %sub3A : vector<16xi32>
        %mul3A_138 = arith.constant 1280 : i32
        %mul3A_139 = vector.broadcast %mul3A_138 : i32 to vector<16xi32>
        %mul3A_140 = arith.muli %sub3A_137, %mul3A_139 : vector<16xi32>
        %add3A_141 = arith.addi %mul3A_140, %get3A_133 : vector<16xi32>
        %jit3A = arith.constant 327680 : i32
        %broadcast_in_dim3A = vector.broadcast %jit3A : i32 to vector<16xi32>
        %select_n3A = arith.select %and3A, %add3A_141, %broadcast_in_dim3A : vector<16xi1>, vector<16xi32>
        %mul3A_142 = arith.constant 16 : i32
        %mul3A_143 = arith.muli %scan3A_123, %mul3A_142 : i32
        %swap3A = arith.constant 7 : i32
        %swap3A_144 = arith.index_cast %swap3A : i32 to index
        %swap3A_145 = arith.index_cast %mul3A_143 : i32 to index
        %swap3A_146 = tpu.vector_load %arg7[%swap3A_144, %swap3A_145] {strides = array<i32>} : memref<10x128xi32, #tpu.memory_space<vmem>>, vector<1x16xi32>,
        %swap3A_147 = vector.shape_cast %swap3A_146 : vector<1x16xi32> to vector<16xi32>
        %swap3A_148 = vector.shape_cast %select_n3A : vector<16xi32> to vector<1x16xi32>
        tpu.vector_store %arg7[%swap3A_144, %swap3A_145], %swap3A_148 {strides = array<i32>} : memref<10x128xi32, #tpu.memory_space<vmem>>, vector<1x16xi32>,
        %jit3A_149 = arith.constant 1.000000e+00 : f32
        %jit3A_150 = arith.constant 0.000000e+00 : f32
        %broadcast_in_dim3A_151 = vector.broadcast %jit3A_149 : f32 to vector<16xf32>
        %broadcast_in_dim3A_152 = vector.broadcast %jit3A_150 : f32 to vector<16xf32>
        %select_n3A_153 = arith.select %and3A_136, %broadcast_in_dim3A_151, %broadcast_in_dim3A_152 : vector<16xi1>, vector<16xf32>
        %mul3A_154 = arith.constant 16 : i32
        %mul3A_155 = arith.muli %scan3A_123, %mul3A_154 : i32
        %swap3A_156 = arith.constant 7 : i32
        %swap3A_157 = arith.index_cast %swap3A_156 : i32 to index
        %swap3A_158 = arith.index_cast %mul3A_155 : i32 to index
        %swap3A_159 = tpu.vector_load %arg8[%swap3A_157, %swap3A_158] {strides = array<i32>} : memref<10x128xf32, #tpu.memory_space<vmem>>, vector<1x16xf32>,
        %swap3A_160 = vector.shape_cast %swap3A_159 : vector<1x16xf32> to vector<16xf32>
        %swap3A_161 = vector.shape_cast %select_n3A_153 : vector<16xf32> to vector<1x16xf32>
        tpu.vector_store %arg8[%swap3A_157, %swap3A_158], %swap3A_161 {strides = array<i32>} : memref<10x128xf32, #tpu.memory_space<vmem>>, vector<1x16xf32>,
        %scan3A_162 = arith.constant 0 : i32
        scf.yield %scan3A_162 : i32
      }
      %scan3A_79 = arith.constant 8 : i32
      %scan3A_80 = arith.constant 0 : i32
      %scan3A_81 = arith.constant 0 : i32
      %scan3A_82 = arith.constant 8 : i32
      %scan3A_83 = arith.addi %scan3A_81, %scan3A_82 : i32
      %scan3A_84 = arith.constant 1 : i32
      %scan3A_85 = scf.for %scan3A_123 = %scan3A_81 to %scan3A_83 step %scan3A_84 iter_args(%scan3A_124 = %scan3A_80) -> (i32)  : i32 {
        %mul3A_125 = arith.constant 16 : i32
        %mul3A_126 = arith.muli %scan3A_123, %mul3A_125 : i32
        %add3A_127 = arith.constant 1024 : i32
        %add3A_128 = arith.addi %add3A_127, %mul3A_126 : i32
        %get3A = arith.index_cast %add3A_128 : i32 to index
        %get3A_129 = tpu.vector_load %arg5[%get3A] {strides = array<i32>} : memref<1280xi32, #tpu.memory_space<vmem>>, vector<16xi32>,
        %get3A_130 = vector.shape_cast %get3A_129 : vector<16xi32> to vector<16xi32>
        %get3A_131 = arith.index_cast %add3A_128 : i32 to index
        %get3A_132 = tpu.vector_load %arg6[%get3A_131] {strides = array<i32>} : memref<1280xi32, #tpu.memory_space<vmem>>, vector<16xi32>,
        %get3A_133 = vector.shape_cast %get3A_132 : vector<16xi32> to vector<16xi32>
        %ge3A = vector.broadcast %mul3A_12 : i32 to vector<16xi32>
        %ge3A_134 = arith.cmpi sge, %get3A_130, %ge3A : vector<16xi32>
        %lt3A = vector.broadcast %add3A_14 : i32 to vector<16xi32>
        %lt3A_135 = arith.cmpi slt, %get3A_130, %lt3A : vector<16xi32>
        %and3A = arith.andi %ge3A_134, %lt3A_135 : vector<16xi1>
        %ne3A = arith.cmpi ne, %get3A_130, %get3A_133 : vector<16xi32>
        %and3A_136 = arith.andi %and3A, %ne3A : vector<16xi1>
        %sub3A = vector.broadcast %mul3A_12 : i32 to vector<16xi32>
        %sub3A_137 = arith.subi %get3A_130, %sub3A : vector<16xi32>
        %mul3A_138 = arith.constant 1280 : i32
        %mul3A_139 = vector.broadcast %mul3A_138 : i32 to vector<16xi32>
        %mul3A_140 = arith.muli %sub3A_137, %mul3A_139 : vector<16xi32>
        %add3A_141 = arith.addi %mul3A_140, %get3A_133 : vector<16xi32>
        %jit3A = arith.constant 327680 : i32
        %broadcast_in_dim3A = vector.broadcast %jit3A : i32 to vector<16xi32>
        %select_n3A = arith.select %and3A, %add3A_141, %broadcast_in_dim3A : vector<16xi1>, vector<16xi32>
        %mul3A_142 = arith.constant 16 : i32
        %mul3A_143 = arith.muli %scan3A_123, %mul3A_142 : i32
        %swap3A = arith.constant 8 : i32
        %swap3A_144 = arith.index_cast %swap3A : i32 to index
        %swap3A_145 = arith.index_cast %mul3A_143 : i32 to index
        %swap3A_146 = tpu.vector_load %arg7[%swap3A_144, %swap3A_145] {strides = array<i32>} : memref<10x128xi32, #tpu.memory_space<vmem>>, vector<1x16xi32>,
        %swap3A_147 = vector.shape_cast %swap3A_146 : vector<1x16xi32> to vector<16xi32>
        %swap3A_148 = vector.shape_cast %select_n3A : vector<16xi32> to vector<1x16xi32>
        tpu.vector_store %arg7[%swap3A_144, %swap3A_145], %swap3A_148 {strides = array<i32>} : memref<10x128xi32, #tpu.memory_space<vmem>>, vector<1x16xi32>,
        %jit3A_149 = arith.constant 1.000000e+00 : f32
        %jit3A_150 = arith.constant 0.000000e+00 : f32
        %broadcast_in_dim3A_151 = vector.broadcast %jit3A_149 : f32 to vector<16xf32>
        %broadcast_in_dim3A_152 = vector.broadcast %jit3A_150 : f32 to vector<16xf32>
        %select_n3A_153 = arith.select %and3A_136, %broadcast_in_dim3A_151, %broadcast_in_dim3A_152 : vector<16xi1>, vector<16xf32>
        %mul3A_154 = arith.constant 16 : i32
        %mul3A_155 = arith.muli %scan3A_123, %mul3A_154 : i32
        %swap3A_156 = arith.constant 8 : i32
        %swap3A_157 = arith.index_cast %swap3A_156 : i32 to index
        %swap3A_158 = arith.index_cast %mul3A_155 : i32 to index
        %swap3A_159 = tpu.vector_load %arg8[%swap3A_157, %swap3A_158] {strides = array<i32>} : memref<10x128xf32, #tpu.memory_space<vmem>>, vector<1x16xf32>,
        %swap3A_160 = vector.shape_cast %swap3A_159 : vector<1x16xf32> to vector<16xf32>
        %swap3A_161 = vector.shape_cast %select_n3A_153 : vector<16xf32> to vector<1x16xf32>
        tpu.vector_store %arg8[%swap3A_157, %swap3A_158], %swap3A_161 {strides = array<i32>} : memref<10x128xf32, #tpu.memory_space<vmem>>, vector<1x16xf32>,
        %scan3A_162 = arith.constant 0 : i32
        scf.yield %scan3A_162 : i32
      }
      %scan3A_86 = arith.constant 8 : i32
      %scan3A_87 = arith.constant 0 : i32
      %scan3A_88 = arith.constant 0 : i32
      %scan3A_89 = arith.constant 8 : i32
      %scan3A_90 = arith.addi %scan3A_88, %scan3A_89 : i32
      %scan3A_91 = arith.constant 1 : i32
      %scan3A_92 = scf.for %scan3A_123 = %scan3A_88 to %scan3A_90 step %scan3A_91 iter_args(%scan3A_124 = %scan3A_87) -> (i32)  : i32 {
        %mul3A_125 = arith.constant 16 : i32
        %mul3A_126 = arith.muli %scan3A_123, %mul3A_125 : i32
        %add3A_127 = arith.constant 1152 : i32
        %add3A_128 = arith.addi %add3A_127, %mul3A_126 : i32
        %get3A = arith.index_cast %add3A_128 : i32 to index
        %get3A_129 = tpu.vector_load %arg5[%get3A] {strides = array<i32>} : memref<1280xi32, #tpu.memory_space<vmem>>, vector<16xi32>,
        %get3A_130 = vector.shape_cast %get3A_129 : vector<16xi32> to vector<16xi32>
        %get3A_131 = arith.index_cast %add3A_128 : i32 to index
        %get3A_132 = tpu.vector_load %arg6[%get3A_131] {strides = array<i32>} : memref<1280xi32, #tpu.memory_space<vmem>>, vector<16xi32>,
        %get3A_133 = vector.shape_cast %get3A_132 : vector<16xi32> to vector<16xi32>
        %ge3A = vector.broadcast %mul3A_12 : i32 to vector<16xi32>
        %ge3A_134 = arith.cmpi sge, %get3A_130, %ge3A : vector<16xi32>
        %lt3A = vector.broadcast %add3A_14 : i32 to vector<16xi32>
        %lt3A_135 = arith.cmpi slt, %get3A_130, %lt3A : vector<16xi32>
        %and3A = arith.andi %ge3A_134, %lt3A_135 : vector<16xi1>
        %ne3A = arith.cmpi ne, %get3A_130, %get3A_133 : vector<16xi32>
        %and3A_136 = arith.andi %and3A, %ne3A : vector<16xi1>
        %sub3A = vector.broadcast %mul3A_12 : i32 to vector<16xi32>
        %sub3A_137 = arith.subi %get3A_130, %sub3A : vector<16xi32>
        %mul3A_138 = arith.constant 1280 : i32
        %mul3A_139 = vector.broadcast %mul3A_138 : i32 to vector<16xi32>
        %mul3A_140 = arith.muli %sub3A_137, %mul3A_139 : vector<16xi32>
        %add3A_141 = arith.addi %mul3A_140, %get3A_133 : vector<16xi32>
        %jit3A = arith.constant 327680 : i32
        %broadcast_in_dim3A = vector.broadcast %jit3A : i32 to vector<16xi32>
        %select_n3A = arith.select %and3A, %add3A_141, %broadcast_in_dim3A : vector<16xi1>, vector<16xi32>
        %mul3A_142 = arith.constant 16 : i32
        %mul3A_143 = arith.muli %scan3A_123, %mul3A_142 : i32
        %swap3A = arith.constant 9 : i32
        %swap3A_144 = arith.index_cast %swap3A : i32 to index
        %swap3A_145 = arith.index_cast %mul3A_143 : i32 to index
        %swap3A_146 = tpu.vector_load %arg7[%swap3A_144, %swap3A_145] {strides = array<i32>} : memref<10x128xi32, #tpu.memory_space<vmem>>, vector<1x16xi32>,
        %swap3A_147 = vector.shape_cast %swap3A_146 : vector<1x16xi32> to vector<16xi32>
        %swap3A_148 = vector.shape_cast %select_n3A : vector<16xi32> to vector<1x16xi32>
        tpu.vector_store %arg7[%swap3A_144, %swap3A_145], %swap3A_148 {strides = array<i32>} : memref<10x128xi32, #tpu.memory_space<vmem>>, vector<1x16xi32>,
        %jit3A_149 = arith.constant 1.000000e+00 : f32
        %jit3A_150 = arith.constant 0.000000e+00 : f32
        %broadcast_in_dim3A_151 = vector.broadcast %jit3A_149 : f32 to vector<16xf32>
        %broadcast_in_dim3A_152 = vector.broadcast %jit3A_150 : f32 to vector<16xf32>
        %select_n3A_153 = arith.select %and3A_136, %broadcast_in_dim3A_151, %broadcast_in_dim3A_152 : vector<16xi1>, vector<16xf32>
        %mul3A_154 = arith.constant 16 : i32
        %mul3A_155 = arith.muli %scan3A_123, %mul3A_154 : i32
        %swap3A_156 = arith.constant 9 : i32
        %swap3A_157 = arith.index_cast %swap3A_156 : i32 to index
        %swap3A_158 = arith.index_cast %mul3A_155 : i32 to index
        %swap3A_159 = tpu.vector_load %arg8[%swap3A_157, %swap3A_158] {strides = array<i32>} : memref<10x128xf32, #tpu.memory_space<vmem>>, vector<1x16xf32>,
        %swap3A_160 = vector.shape_cast %swap3A_159 : vector<1x16xf32> to vector<16xf32>
        %swap3A_161 = vector.shape_cast %select_n3A_153 : vector<16xf32> to vector<1x16xf32>
        tpu.vector_store %arg8[%swap3A_157, %swap3A_158], %swap3A_161 {strides = array<i32>} : memref<10x128xf32, #tpu.memory_space<vmem>>, vector<1x16xf32>,
        %scan3A_162 = arith.constant 0 : i32
        scf.yield %scan3A_162 : i32
      }
      %scan3A_93 = arith.constant 8 : i32
      %barrier3A = arith.constant 0 : index
      tpu.barrier barrier_id(%barrier3A)
      %run_scoped3A = arith.constant 0 : i32
      %run_scoped3A_94 = arith.constant 0 : i32
      "tpu.region"() ({
        %run_scoped3A_123 = tpu.sem_alloc : memref<!tpu.dma_semaphore, #tpu.memory_space<semaphore_mem>>
        %dma_start3A = arith.constant 0 : i32
        %dma_start3A_124 = tpu.memref_slice %arg8[%run_scoped3A, %dma_start3A] : memref<10x128xf32, #tpu.memory_space<vmem>> -> memref<1x128xf32, #tpu.memory_space<vmem>>
        %dma_start3A_125 = tpu.memref_squeeze %dma_start3A_124 : memref<1x128xf32, #tpu.memory_space<vmem>> -> memref<128xf32, #tpu.memory_space<vmem>>
        %dma_start3A_126 = arith.constant 0 : i32
        %dma_start3A_127 = tpu.memref_slice %arg7[%run_scoped3A_94, %dma_start3A_126] : memref<10x128xi32, #tpu.memory_space<vmem>> -> memref<1x128xi32, #tpu.memory_space<vmem>>
        %dma_start3A_128 = tpu.memref_squeeze %dma_start3A_127 : memref<1x128xi32, #tpu.memory_space<vmem>> -> memref<128xi32, #tpu.memory_space<vmem>>
        %dma_start3A_129 = arith.constant 0 : i32
        %dma_start3A_130 = tpu.memref_slice %arg10[%dma_start3A_129] : memref<327808xf32, #tpu.memory_space<vmem_shared>> -> memref<327808xf32, #tpu.memory_space<vmem_shared>>
        tpu.enqueue_indirect_dma source(%dma_start3A_125 : memref<128xf32, #tpu.memory_space<vmem>>) target(%dma_start3A_130 : memref<327808xf32, #tpu.memory_space<vmem_shared>>) offsets(%dma_start3A_128 : memref<128xi32, #tpu.memory_space<vmem>>) semaphore(%run_scoped3A_123 : memref<!tpu.dma_semaphore, #tpu.memory_space<semaphore_mem>>) {add = true}
        %dma_wait3A = arith.constant 0 : i32
        %dma_wait3A_131 = tpu.memref_slice %arg8[%run_scoped3A, %dma_wait3A] : memref<10x128xf32, #tpu.memory_space<vmem>> -> memref<1x128xf32, #tpu.memory_space<vmem>>
        %dma_wait3A_132 = tpu.memref_squeeze %dma_wait3A_131 : memref<1x128xf32, #tpu.memory_space<vmem>> -> memref<128xf32, #tpu.memory_space<vmem>>
        %dma_wait3A_133 = arith.constant 0 : i32
        %dma_wait3A_134 = tpu.memref_slice %arg7[%run_scoped3A_94, %dma_wait3A_133] : memref<10x128xi32, #tpu.memory_space<vmem>> -> memref<1x128xi32, #tpu.memory_space<vmem>>
        %dma_wait3A_135 = tpu.memref_squeeze %dma_wait3A_134 : memref<1x128xi32, #tpu.memory_space<vmem>> -> memref<128xi32, #tpu.memory_space<vmem>>
        %dma_wait3A_136 = arith.constant 0 : i32
        %dma_wait3A_137 = tpu.memref_slice %arg10[%dma_wait3A_136] : memref<327808xf32, #tpu.memory_space<vmem_shared>> -> memref<327808xf32, #tpu.memory_space<vmem_shared>>
        tpu.wait_indirect_dma semaphore(%run_scoped3A_123 : memref<!tpu.dma_semaphore, #tpu.memory_space<semaphore_mem>>) src(%dma_wait3A_132 : memref<128xf32, #tpu.memory_space<vmem>>) dst(%dma_wait3A_137 : memref<327808xf32, #tpu.memory_space<vmem_shared>>)
        tpu.yield
      }) : () -> ()
      %run_scoped3A_95 = arith.constant 1 : i32
      %run_scoped3A_96 = arith.constant 1 : i32
      "tpu.region"() ({
        %run_scoped3A_123 = tpu.sem_alloc : memref<!tpu.dma_semaphore, #tpu.memory_space<semaphore_mem>>
        %dma_start3A = arith.constant 0 : i32
        %dma_start3A_124 = tpu.memref_slice %arg8[%run_scoped3A_95, %dma_start3A] : memref<10x128xf32, #tpu.memory_space<vmem>> -> memref<1x128xf32, #tpu.memory_space<vmem>>
        %dma_start3A_125 = tpu.memref_squeeze %dma_start3A_124 : memref<1x128xf32, #tpu.memory_space<vmem>> -> memref<128xf32, #tpu.memory_space<vmem>>
        %dma_start3A_126 = arith.constant 0 : i32
        %dma_start3A_127 = tpu.memref_slice %arg7[%run_scoped3A_96, %dma_start3A_126] : memref<10x128xi32, #tpu.memory_space<vmem>> -> memref<1x128xi32, #tpu.memory_space<vmem>>
        %dma_start3A_128 = tpu.memref_squeeze %dma_start3A_127 : memref<1x128xi32, #tpu.memory_space<vmem>> -> memref<128xi32, #tpu.memory_space<vmem>>
        %dma_start3A_129 = arith.constant 0 : i32
        %dma_start3A_130 = tpu.memref_slice %arg10[%dma_start3A_129] : memref<327808xf32, #tpu.memory_space<vmem_shared>> -> memref<327808xf32, #tpu.memory_space<vmem_shared>>
        tpu.enqueue_indirect_dma source(%dma_start3A_125 : memref<128xf32, #tpu.memory_space<vmem>>) target(%dma_start3A_130 : memref<327808xf32, #tpu.memory_space<vmem_shared>>) offsets(%dma_start3A_128 : memref<128xi32, #tpu.memory_space<vmem>>) semaphore(%run_scoped3A_123 : memref<!tpu.dma_semaphore, #tpu.memory_space<semaphore_mem>>) {add = true}
        %dma_wait3A = arith.constant 0 : i32
        %dma_wait3A_131 = tpu.memref_slice %arg8[%run_scoped3A_95, %dma_wait3A] : memref<10x128xf32, #tpu.memory_space<vmem>> -> memref<1x128xf32, #tpu.memory_space<vmem>>
        %dma_wait3A_132 = tpu.memref_squeeze %dma_wait3A_131 : memref<1x128xf32, #tpu.memory_space<vmem>> -> memref<128xf32, #tpu.memory_space<vmem>>
        %dma_wait3A_133 = arith.constant 0 : i32
        %dma_wait3A_134 = tpu.memref_slice %arg7[%run_scoped3A_96, %dma_wait3A_133] : memref<10x128xi32, #tpu.memory_space<vmem>> -> memref<1x128xi32, #tpu.memory_space<vmem>>
        %dma_wait3A_135 = tpu.memref_squeeze %dma_wait3A_134 : memref<1x128xi32, #tpu.memory_space<vmem>> -> memref<128xi32, #tpu.memory_space<vmem>>
        %dma_wait3A_136 = arith.constant 0 : i32
        %dma_wait3A_137 = tpu.memref_slice %arg10[%dma_wait3A_136] : memref<327808xf32, #tpu.memory_space<vmem_shared>> -> memref<327808xf32, #tpu.memory_space<vmem_shared>>
        tpu.wait_indirect_dma semaphore(%run_scoped3A_123 : memref<!tpu.dma_semaphore, #tpu.memory_space<semaphore_mem>>) src(%dma_wait3A_132 : memref<128xf32, #tpu.memory_space<vmem>>) dst(%dma_wait3A_137 : memref<327808xf32, #tpu.memory_space<vmem_shared>>)
        tpu.yield
      }) : () -> ()
      %run_scoped3A_97 = arith.constant 2 : i32
      %run_scoped3A_98 = arith.constant 2 : i32
      "tpu.region"() ({
        %run_scoped3A_123 = tpu.sem_alloc : memref<!tpu.dma_semaphore, #tpu.memory_space<semaphore_mem>>
        %dma_start3A = arith.constant 0 : i32
        %dma_start3A_124 = tpu.memref_slice %arg8[%run_scoped3A_97, %dma_start3A] : memref<10x128xf32, #tpu.memory_space<vmem>> -> memref<1x128xf32, #tpu.memory_space<vmem>>
        %dma_start3A_125 = tpu.memref_squeeze %dma_start3A_124 : memref<1x128xf32, #tpu.memory_space<vmem>> -> memref<128xf32, #tpu.memory_space<vmem>>
        %dma_start3A_126 = arith.constant 0 : i32
        %dma_start3A_127 = tpu.memref_slice %arg7[%run_scoped3A_98, %dma_start3A_126] : memref<10x128xi32, #tpu.memory_space<vmem>> -> memref<1x128xi32, #tpu.memory_space<vmem>>
        %dma_start3A_128 = tpu.memref_squeeze %dma_start3A_127 : memref<1x128xi32, #tpu.memory_space<vmem>> -> memref<128xi32, #tpu.memory_space<vmem>>
        %dma_start3A_129 = arith.constant 0 : i32
        %dma_start3A_130 = tpu.memref_slice %arg10[%dma_start3A_129] : memref<327808xf32, #tpu.memory_space<vmem_shared>> -> memref<327808xf32, #tpu.memory_space<vmem_shared>>
        tpu.enqueue_indirect_dma source(%dma_start3A_125 : memref<128xf32, #tpu.memory_space<vmem>>) target(%dma_start3A_130 : memref<327808xf32, #tpu.memory_space<vmem_shared>>) offsets(%dma_start3A_128 : memref<128xi32, #tpu.memory_space<vmem>>) semaphore(%run_scoped3A_123 : memref<!tpu.dma_semaphore, #tpu.memory_space<semaphore_mem>>) {add = true}
        %dma_wait3A = arith.constant 0 : i32
        %dma_wait3A_131 = tpu.memref_slice %arg8[%run_scoped3A_97, %dma_wait3A] : memref<10x128xf32, #tpu.memory_space<vmem>> -> memref<1x128xf32, #tpu.memory_space<vmem>>
        %dma_wait3A_132 = tpu.memref_squeeze %dma_wait3A_131 : memref<1x128xf32, #tpu.memory_space<vmem>> -> memref<128xf32, #tpu.memory_space<vmem>>
        %dma_wait3A_133 = arith.constant 0 : i32
        %dma_wait3A_134 = tpu.memref_slice %arg7[%run_scoped3A_98, %dma_wait3A_133] : memref<10x128xi32, #tpu.memory_space<vmem>> -> memref<1x128xi32, #tpu.memory_space<vmem>>
        %dma_wait3A_135 = tpu.memref_squeeze %dma_wait3A_134 : memref<1x128xi32, #tpu.memory_space<vmem>> -> memref<128xi32, #tpu.memory_space<vmem>>
        %dma_wait3A_136 = arith.constant 0 : i32
        %dma_wait3A_137 = tpu.memref_slice %arg10[%dma_wait3A_136] : memref<327808xf32, #tpu.memory_space<vmem_shared>> -> memref<327808xf32, #tpu.memory_space<vmem_shared>>
        tpu.wait_indirect_dma semaphore(%run_scoped3A_123 : memref<!tpu.dma_semaphore, #tpu.memory_space<semaphore_mem>>) src(%dma_wait3A_132 : memref<128xf32, #tpu.memory_space<vmem>>) dst(%dma_wait3A_137 : memref<327808xf32, #tpu.memory_space<vmem_shared>>)
        tpu.yield
      }) : () -> ()
      %run_scoped3A_99 = arith.constant 3 : i32
      %run_scoped3A_100 = arith.constant 3 : i32
      "tpu.region"() ({
        %run_scoped3A_123 = tpu.sem_alloc : memref<!tpu.dma_semaphore, #tpu.memory_space<semaphore_mem>>
        %dma_start3A = arith.constant 0 : i32
        %dma_start3A_124 = tpu.memref_slice %arg8[%run_scoped3A_99, %dma_start3A] : memref<10x128xf32, #tpu.memory_space<vmem>> -> memref<1x128xf32, #tpu.memory_space<vmem>>
        %dma_start3A_125 = tpu.memref_squeeze %dma_start3A_124 : memref<1x128xf32, #tpu.memory_space<vmem>> -> memref<128xf32, #tpu.memory_space<vmem>>
        %dma_start3A_126 = arith.constant 0 : i32
        %dma_start3A_127 = tpu.memref_slice %arg7[%run_scoped3A_100, %dma_start3A_126] : memref<10x128xi32, #tpu.memory_space<vmem>> -> memref<1x128xi32, #tpu.memory_space<vmem>>
        %dma_start3A_128 = tpu.memref_squeeze %dma_start3A_127 : memref<1x128xi32, #tpu.memory_space<vmem>> -> memref<128xi32, #tpu.memory_space<vmem>>
        %dma_start3A_129 = arith.constant 0 : i32
        %dma_start3A_130 = tpu.memref_slice %arg10[%dma_start3A_129] : memref<327808xf32, #tpu.memory_space<vmem_shared>> -> memref<327808xf32, #tpu.memory_space<vmem_shared>>
        tpu.enqueue_indirect_dma source(%dma_start3A_125 : memref<128xf32, #tpu.memory_space<vmem>>) target(%dma_start3A_130 : memref<327808xf32, #tpu.memory_space<vmem_shared>>) offsets(%dma_start3A_128 : memref<128xi32, #tpu.memory_space<vmem>>) semaphore(%run_scoped3A_123 : memref<!tpu.dma_semaphore, #tpu.memory_space<semaphore_mem>>) {add = true}
        %dma_wait3A = arith.constant 0 : i32
        %dma_wait3A_131 = tpu.memref_slice %arg8[%run_scoped3A_99, %dma_wait3A] : memref<10x128xf32, #tpu.memory_space<vmem>> -> memref<1x128xf32, #tpu.memory_space<vmem>>
        %dma_wait3A_132 = tpu.memref_squeeze %dma_wait3A_131 : memref<1x128xf32, #tpu.memory_space<vmem>> -> memref<128xf32, #tpu.memory_space<vmem>>
        %dma_wait3A_133 = arith.constant 0 : i32
        %dma_wait3A_134 = tpu.memref_slice %arg7[%run_scoped3A_100, %dma_wait3A_133] : memref<10x128xi32, #tpu.memory_space<vmem>> -> memref<1x128xi32, #tpu.memory_space<vmem>>
        %dma_wait3A_135 = tpu.memref_squeeze %dma_wait3A_134 : memref<1x128xi32, #tpu.memory_space<vmem>> -> memref<128xi32, #tpu.memory_space<vmem>>
        %dma_wait3A_136 = arith.constant 0 : i32
        %dma_wait3A_137 = tpu.memref_slice %arg10[%dma_wait3A_136] : memref<327808xf32, #tpu.memory_space<vmem_shared>> -> memref<327808xf32, #tpu.memory_space<vmem_shared>>
        tpu.wait_indirect_dma semaphore(%run_scoped3A_123 : memref<!tpu.dma_semaphore, #tpu.memory_space<semaphore_mem>>) src(%dma_wait3A_132 : memref<128xf32, #tpu.memory_space<vmem>>) dst(%dma_wait3A_137 : memref<327808xf32, #tpu.memory_space<vmem_shared>>)
        tpu.yield
      }) : () -> ()
      %run_scoped3A_101 = arith.constant 4 : i32
      %run_scoped3A_102 = arith.constant 4 : i32
      "tpu.region"() ({
        %run_scoped3A_123 = tpu.sem_alloc : memref<!tpu.dma_semaphore, #tpu.memory_space<semaphore_mem>>
        %dma_start3A = arith.constant 0 : i32
        %dma_start3A_124 = tpu.memref_slice %arg8[%run_scoped3A_101, %dma_start3A] : memref<10x128xf32, #tpu.memory_space<vmem>> -> memref<1x128xf32, #tpu.memory_space<vmem>>
        %dma_start3A_125 = tpu.memref_squeeze %dma_start3A_124 : memref<1x128xf32, #tpu.memory_space<vmem>> -> memref<128xf32, #tpu.memory_space<vmem>>
        %dma_start3A_126 = arith.constant 0 : i32
        %dma_start3A_127 = tpu.memref_slice %arg7[%run_scoped3A_102, %dma_start3A_126] : memref<10x128xi32, #tpu.memory_space<vmem>> -> memref<1x128xi32, #tpu.memory_space<vmem>>
        %dma_start3A_128 = tpu.memref_squeeze %dma_start3A_127 : memref<1x128xi32, #tpu.memory_space<vmem>> -> memref<128xi32, #tpu.memory_space<vmem>>
        %dma_start3A_129 = arith.constant 0 : i32
        %dma_start3A_130 = tpu.memref_slice %arg10[%dma_start3A_129] : memref<327808xf32, #tpu.memory_space<vmem_shared>> -> memref<327808xf32, #tpu.memory_space<vmem_shared>>
        tpu.enqueue_indirect_dma source(%dma_start3A_125 : memref<128xf32, #tpu.memory_space<vmem>>) target(%dma_start3A_130 : memref<327808xf32, #tpu.memory_space<vmem_shared>>) offsets(%dma_start3A_128 : memref<128xi32, #tpu.memory_space<vmem>>) semaphore(%run_scoped3A_123 : memref<!tpu.dma_semaphore, #tpu.memory_space<semaphore_mem>>) {add = true}
        %dma_wait3A = arith.constant 0 : i32
        %dma_wait3A_131 = tpu.memref_slice %arg8[%run_scoped3A_101, %dma_wait3A] : memref<10x128xf32, #tpu.memory_space<vmem>> -> memref<1x128xf32, #tpu.memory_space<vmem>>
        %dma_wait3A_132 = tpu.memref_squeeze %dma_wait3A_131 : memref<1x128xf32, #tpu.memory_space<vmem>> -> memref<128xf32, #tpu.memory_space<vmem>>
        %dma_wait3A_133 = arith.constant 0 : i32
        %dma_wait3A_134 = tpu.memref_slice %arg7[%run_scoped3A_102, %dma_wait3A_133] : memref<10x128xi32, #tpu.memory_space<vmem>> -> memref<1x128xi32, #tpu.memory_space<vmem>>
        %dma_wait3A_135 = tpu.memref_squeeze %dma_wait3A_134 : memref<1x128xi32, #tpu.memory_space<vmem>> -> memref<128xi32, #tpu.memory_space<vmem>>
        %dma_wait3A_136 = arith.constant 0 : i32
        %dma_wait3A_137 = tpu.memref_slice %arg10[%dma_wait3A_136] : memref<327808xf32, #tpu.memory_space<vmem_shared>> -> memref<327808xf32, #tpu.memory_space<vmem_shared>>
        tpu.wait_indirect_dma semaphore(%run_scoped3A_123 : memref<!tpu.dma_semaphore, #tpu.memory_space<semaphore_mem>>) src(%dma_wait3A_132 : memref<128xf32, #tpu.memory_space<vmem>>) dst(%dma_wait3A_137 : memref<327808xf32, #tpu.memory_space<vmem_shared>>)
        tpu.yield
      }) : () -> ()
      %run_scoped3A_103 = arith.constant 5 : i32
      %run_scoped3A_104 = arith.constant 5 : i32
      "tpu.region"() ({
        %run_scoped3A_123 = tpu.sem_alloc : memref<!tpu.dma_semaphore, #tpu.memory_space<semaphore_mem>>
        %dma_start3A = arith.constant 0 : i32
        %dma_start3A_124 = tpu.memref_slice %arg8[%run_scoped3A_103, %dma_start3A] : memref<10x128xf32, #tpu.memory_space<vmem>> -> memref<1x128xf32, #tpu.memory_space<vmem>>
        %dma_start3A_125 = tpu.memref_squeeze %dma_start3A_124 : memref<1x128xf32, #tpu.memory_space<vmem>> -> memref<128xf32, #tpu.memory_space<vmem>>
        %dma_start3A_126 = arith.constant 0 : i32
        %dma_start3A_127 = tpu.memref_slice %arg7[%run_scoped3A_104, %dma_start3A_126] : memref<10x128xi32, #tpu.memory_space<vmem>> -> memref<1x128xi32, #tpu.memory_space<vmem>>
        %dma_start3A_128 = tpu.memref_squeeze %dma_start3A_127 : memref<1x128xi32, #tpu.memory_space<vmem>> -> memref<128xi32, #tpu.memory_space<vmem>>
        %dma_start3A_129 = arith.constant 0 : i32
        %dma_start3A_130 = tpu.memref_slice %arg10[%dma_start3A_129] : memref<327808xf32, #tpu.memory_space<vmem_shared>> -> memref<327808xf32, #tpu.memory_space<vmem_shared>>
        tpu.enqueue_indirect_dma source(%dma_start3A_125 : memref<128xf32, #tpu.memory_space<vmem>>) target(%dma_start3A_130 : memref<327808xf32, #tpu.memory_space<vmem_shared>>) offsets(%dma_start3A_128 : memref<128xi32, #tpu.memory_space<vmem>>) semaphore(%run_scoped3A_123 : memref<!tpu.dma_semaphore, #tpu.memory_space<semaphore_mem>>) {add = true}
        %dma_wait3A = arith.constant 0 : i32
        %dma_wait3A_131 = tpu.memref_slice %arg8[%run_scoped3A_103, %dma_wait3A] : memref<10x128xf32, #tpu.memory_space<vmem>> -> memref<1x128xf32, #tpu.memory_space<vmem>>
        %dma_wait3A_132 = tpu.memref_squeeze %dma_wait3A_131 : memref<1x128xf32, #tpu.memory_space<vmem>> -> memref<128xf32, #tpu.memory_space<vmem>>
        %dma_wait3A_133 = arith.constant 0 : i32
        %dma_wait3A_134 = tpu.memref_slice %arg7[%run_scoped3A_104, %dma_wait3A_133] : memref<10x128xi32, #tpu.memory_space<vmem>> -> memref<1x128xi32, #tpu.memory_space<vmem>>
        %dma_wait3A_135 = tpu.memref_squeeze %dma_wait3A_134 : memref<1x128xi32, #tpu.memory_space<vmem>> -> memref<128xi32, #tpu.memory_space<vmem>>
        %dma_wait3A_136 = arith.constant 0 : i32
        %dma_wait3A_137 = tpu.memref_slice %arg10[%dma_wait3A_136] : memref<327808xf32, #tpu.memory_space<vmem_shared>> -> memref<327808xf32, #tpu.memory_space<vmem_shared>>
        tpu.wait_indirect_dma semaphore(%run_scoped3A_123 : memref<!tpu.dma_semaphore, #tpu.memory_space<semaphore_mem>>) src(%dma_wait3A_132 : memref<128xf32, #tpu.memory_space<vmem>>) dst(%dma_wait3A_137 : memref<327808xf32, #tpu.memory_space<vmem_shared>>)
        tpu.yield
      }) : () -> ()
      %run_scoped3A_105 = arith.constant 6 : i32
      %run_scoped3A_106 = arith.constant 6 : i32
      "tpu.region"() ({
        %run_scoped3A_123 = tpu.sem_alloc : memref<!tpu.dma_semaphore, #tpu.memory_space<semaphore_mem>>
        %dma_start3A = arith.constant 0 : i32
        %dma_start3A_124 = tpu.memref_slice %arg8[%run_scoped3A_105, %dma_start3A] : memref<10x128xf32, #tpu.memory_space<vmem>> -> memref<1x128xf32, #tpu.memory_space<vmem>>
        %dma_start3A_125 = tpu.memref_squeeze %dma_start3A_124 : memref<1x128xf32, #tpu.memory_space<vmem>> -> memref<128xf32, #tpu.memory_space<vmem>>
        %dma_start3A_126 = arith.constant 0 : i32
        %dma_start3A_127 = tpu.memref_slice %arg7[%run_scoped3A_106, %dma_start3A_126] : memref<10x128xi32, #tpu.memory_space<vmem>> -> memref<1x128xi32, #tpu.memory_space<vmem>>
        %dma_start3A_128 = tpu.memref_squeeze %dma_start3A_127 : memref<1x128xi32, #tpu.memory_space<vmem>> -> memref<128xi32, #tpu.memory_space<vmem>>
        %dma_start3A_129 = arith.constant 0 : i32
        %dma_start3A_130 = tpu.memref_slice %arg10[%dma_start3A_129] : memref<327808xf32, #tpu.memory_space<vmem_shared>> -> memref<327808xf32, #tpu.memory_space<vmem_shared>>
        tpu.enqueue_indirect_dma source(%dma_start3A_125 : memref<128xf32, #tpu.memory_space<vmem>>) target(%dma_start3A_130 : memref<327808xf32, #tpu.memory_space<vmem_shared>>) offsets(%dma_start3A_128 : memref<128xi32, #tpu.memory_space<vmem>>) semaphore(%run_scoped3A_123 : memref<!tpu.dma_semaphore, #tpu.memory_space<semaphore_mem>>) {add = true}
        %dma_wait3A = arith.constant 0 : i32
        %dma_wait3A_131 = tpu.memref_slice %arg8[%run_scoped3A_105, %dma_wait3A] : memref<10x128xf32, #tpu.memory_space<vmem>> -> memref<1x128xf32, #tpu.memory_space<vmem>>
        %dma_wait3A_132 = tpu.memref_squeeze %dma_wait3A_131 : memref<1x128xf32, #tpu.memory_space<vmem>> -> memref<128xf32, #tpu.memory_space<vmem>>
        %dma_wait3A_133 = arith.constant 0 : i32
        %dma_wait3A_134 = tpu.memref_slice %arg7[%run_scoped3A_106, %dma_wait3A_133] : memref<10x128xi32, #tpu.memory_space<vmem>> -> memref<1x128xi32, #tpu.memory_space<vmem>>
        %dma_wait3A_135 = tpu.memref_squeeze %dma_wait3A_134 : memref<1x128xi32, #tpu.memory_space<vmem>> -> memref<128xi32, #tpu.memory_space<vmem>>
        %dma_wait3A_136 = arith.constant 0 : i32
        %dma_wait3A_137 = tpu.memref_slice %arg10[%dma_wait3A_136] : memref<327808xf32, #tpu.memory_space<vmem_shared>> -> memref<327808xf32, #tpu.memory_space<vmem_shared>>
        tpu.wait_indirect_dma semaphore(%run_scoped3A_123 : memref<!tpu.dma_semaphore, #tpu.memory_space<semaphore_mem>>) src(%dma_wait3A_132 : memref<128xf32, #tpu.memory_space<vmem>>) dst(%dma_wait3A_137 : memref<327808xf32, #tpu.memory_space<vmem_shared>>)
        tpu.yield
      }) : () -> ()
      %run_scoped3A_107 = arith.constant 7 : i32
      %run_scoped3A_108 = arith.constant 7 : i32
      "tpu.region"() ({
        %run_scoped3A_123 = tpu.sem_alloc : memref<!tpu.dma_semaphore, #tpu.memory_space<semaphore_mem>>
        %dma_start3A = arith.constant 0 : i32
        %dma_start3A_124 = tpu.memref_slice %arg8[%run_scoped3A_107, %dma_start3A] : memref<10x128xf32, #tpu.memory_space<vmem>> -> memref<1x128xf32, #tpu.memory_space<vmem>>
        %dma_start3A_125 = tpu.memref_squeeze %dma_start3A_124 : memref<1x128xf32, #tpu.memory_space<vmem>> -> memref<128xf32, #tpu.memory_space<vmem>>
        %dma_start3A_126 = arith.constant 0 : i32
        %dma_start3A_127 = tpu.memref_slice %arg7[%run_scoped3A_108, %dma_start3A_126] : memref<10x128xi32, #tpu.memory_space<vmem>> -> memref<1x128xi32, #tpu.memory_space<vmem>>
        %dma_start3A_128 = tpu.memref_squeeze %dma_start3A_127 : memref<1x128xi32, #tpu.memory_space<vmem>> -> memref<128xi32, #tpu.memory_space<vmem>>
        %dma_start3A_129 = arith.constant 0 : i32
        %dma_start3A_130 = tpu.memref_slice %arg10[%dma_start3A_129] : memref<327808xf32, #tpu.memory_space<vmem_shared>> -> memref<327808xf32, #tpu.memory_space<vmem_shared>>
        tpu.enqueue_indirect_dma source(%dma_start3A_125 : memref<128xf32, #tpu.memory_space<vmem>>) target(%dma_start3A_130 : memref<327808xf32, #tpu.memory_space<vmem_shared>>) offsets(%dma_start3A_128 : memref<128xi32, #tpu.memory_space<vmem>>) semaphore(%run_scoped3A_123 : memref<!tpu.dma_semaphore, #tpu.memory_space<semaphore_mem>>) {add = true}
        %dma_wait3A = arith.constant 0 : i32
        %dma_wait3A_131 = tpu.memref_slice %arg8[%run_scoped3A_107, %dma_wait3A] : memref<10x128xf32, #tpu.memory_space<vmem>> -> memref<1x128xf32, #tpu.memory_space<vmem>>
        %dma_wait3A_132 = tpu.memref_squeeze %dma_wait3A_131 : memref<1x128xf32, #tpu.memory_space<vmem>> -> memref<128xf32, #tpu.memory_space<vmem>>
        %dma_wait3A_133 = arith.constant 0 : i32
        %dma_wait3A_134 = tpu.memref_slice %arg7[%run_scoped3A_108, %dma_wait3A_133] : memref<10x128xi32, #tpu.memory_space<vmem>> -> memref<1x128xi32, #tpu.memory_space<vmem>>
        %dma_wait3A_135 = tpu.memref_squeeze %dma_wait3A_134 : memref<1x128xi32, #tpu.memory_space<vmem>> -> memref<128xi32, #tpu.memory_space<vmem>>
        %dma_wait3A_136 = arith.constant 0 : i32
        %dma_wait3A_137 = tpu.memref_slice %arg10[%dma_wait3A_136] : memref<327808xf32, #tpu.memory_space<vmem_shared>> -> memref<327808xf32, #tpu.memory_space<vmem_shared>>
        tpu.wait_indirect_dma semaphore(%run_scoped3A_123 : memref<!tpu.dma_semaphore, #tpu.memory_space<semaphore_mem>>) src(%dma_wait3A_132 : memref<128xf32, #tpu.memory_space<vmem>>) dst(%dma_wait3A_137 : memref<327808xf32, #tpu.memory_space<vmem_shared>>)
        tpu.yield
      }) : () -> ()
      %run_scoped3A_109 = arith.constant 8 : i32
      %run_scoped3A_110 = arith.constant 8 : i32
      "tpu.region"() ({
        %run_scoped3A_123 = tpu.sem_alloc : memref<!tpu.dma_semaphore, #tpu.memory_space<semaphore_mem>>
        %dma_start3A = arith.constant 0 : i32
        %dma_start3A_124 = tpu.memref_slice %arg8[%run_scoped3A_109, %dma_start3A] : memref<10x128xf32, #tpu.memory_space<vmem>> -> memref<1x128xf32, #tpu.memory_space<vmem>>
        %dma_start3A_125 = tpu.memref_squeeze %dma_start3A_124 : memref<1x128xf32, #tpu.memory_space<vmem>> -> memref<128xf32, #tpu.memory_space<vmem>>
        %dma_start3A_126 = arith.constant 0 : i32
        %dma_start3A_127 = tpu.memref_slice %arg7[%run_scoped3A_110, %dma_start3A_126] : memref<10x128xi32, #tpu.memory_space<vmem>> -> memref<1x128xi32, #tpu.memory_space<vmem>>
        %dma_start3A_128 = tpu.memref_squeeze %dma_start3A_127 : memref<1x128xi32, #tpu.memory_space<vmem>> -> memref<128xi32, #tpu.memory_space<vmem>>
        %dma_start3A_129 = arith.constant 0 : i32
        %dma_start3A_130 = tpu.memref_slice %arg10[%dma_start3A_129] : memref<327808xf32, #tpu.memory_space<vmem_shared>> -> memref<327808xf32, #tpu.memory_space<vmem_shared>>
        tpu.enqueue_indirect_dma source(%dma_start3A_125 : memref<128xf32, #tpu.memory_space<vmem>>) target(%dma_start3A_130 : memref<327808xf32, #tpu.memory_space<vmem_shared>>) offsets(%dma_start3A_128 : memref<128xi32, #tpu.memory_space<vmem>>) semaphore(%run_scoped3A_123 : memref<!tpu.dma_semaphore, #tpu.memory_space<semaphore_mem>>) {add = true}
        %dma_wait3A = arith.constant 0 : i32
        %dma_wait3A_131 = tpu.memref_slice %arg8[%run_scoped3A_109, %dma_wait3A] : memref<10x128xf32, #tpu.memory_space<vmem>> -> memref<1x128xf32, #tpu.memory_space<vmem>>
        %dma_wait3A_132 = tpu.memref_squeeze %dma_wait3A_131 : memref<1x128xf32, #tpu.memory_space<vmem>> -> memref<128xf32, #tpu.memory_space<vmem>>
        %dma_wait3A_133 = arith.constant 0 : i32
        %dma_wait3A_134 = tpu.memref_slice %arg7[%run_scoped3A_110, %dma_wait3A_133] : memref<10x128xi32, #tpu.memory_space<vmem>> -> memref<1x128xi32, #tpu.memory_space<vmem>>
        %dma_wait3A_135 = tpu.memref_squeeze %dma_wait3A_134 : memref<1x128xi32, #tpu.memory_space<vmem>> -> memref<128xi32, #tpu.memory_space<vmem>>
        %dma_wait3A_136 = arith.constant 0 : i32
        %dma_wait3A_137 = tpu.memref_slice %arg10[%dma_wait3A_136] : memref<327808xf32, #tpu.memory_space<vmem_shared>> -> memref<327808xf32, #tpu.memory_space<vmem_shared>>
        tpu.wait_indirect_dma semaphore(%run_scoped3A_123 : memref<!tpu.dma_semaphore, #tpu.memory_space<semaphore_mem>>) src(%dma_wait3A_132 : memref<128xf32, #tpu.memory_space<vmem>>) dst(%dma_wait3A_137 : memref<327808xf32, #tpu.memory_space<vmem_shared>>)
        tpu.yield
      }) : () -> ()
      %run_scoped3A_111 = arith.constant 9 : i32
      %run_scoped3A_112 = arith.constant 9 : i32
      "tpu.region"() ({
        %run_scoped3A_123 = tpu.sem_alloc : memref<!tpu.dma_semaphore, #tpu.memory_space<semaphore_mem>>
        %dma_start3A = arith.constant 0 : i32
        %dma_start3A_124 = tpu.memref_slice %arg8[%run_scoped3A_111, %dma_start3A] : memref<10x128xf32, #tpu.memory_space<vmem>> -> memref<1x128xf32, #tpu.memory_space<vmem>>
        %dma_start3A_125 = tpu.memref_squeeze %dma_start3A_124 : memref<1x128xf32, #tpu.memory_space<vmem>> -> memref<128xf32, #tpu.memory_space<vmem>>
        %dma_start3A_126 = arith.constant 0 : i32
        %dma_start3A_127 = tpu.memref_slice %arg7[%run_scoped3A_112, %dma_start3A_126] : memref<10x128xi32, #tpu.memory_space<vmem>> -> memref<1x128xi32, #tpu.memory_space<vmem>>
        %dma_start3A_128 = tpu.memref_squeeze %dma_start3A_127 : memref<1x128xi32, #tpu.memory_space<vmem>> -> memref<128xi32, #tpu.memory_space<vmem>>
        %dma_start3A_129 = arith.constant 0 : i32
        %dma_start3A_130 = tpu.memref_slice %arg10[%dma_start3A_129] : memref<327808xf32, #tpu.memory_space<vmem_shared>> -> memref<327808xf32, #tpu.memory_space<vmem_shared>>
        tpu.enqueue_indirect_dma source(%dma_start3A_125 : memref<128xf32, #tpu.memory_space<vmem>>) target(%dma_start3A_130 : memref<327808xf32, #tpu.memory_space<vmem_shared>>) offsets(%dma_start3A_128 : memref<128xi32, #tpu.memory_space<vmem>>) semaphore(%run_scoped3A_123 : memref<!tpu.dma_semaphore, #tpu.memory_space<semaphore_mem>>) {add = true}
        %dma_wait3A = arith.constant 0 : i32
        %dma_wait3A_131 = tpu.memref_slice %arg8[%run_scoped3A_111, %dma_wait3A] : memref<10x128xf32, #tpu.memory_space<vmem>> -> memref<1x128xf32, #tpu.memory_space<vmem>>
        %dma_wait3A_132 = tpu.memref_squeeze %dma_wait3A_131 : memref<1x128xf32, #tpu.memory_space<vmem>> -> memref<128xf32, #tpu.memory_space<vmem>>
        %dma_wait3A_133 = arith.constant 0 : i32
        %dma_wait3A_134 = tpu.memref_slice %arg7[%run_scoped3A_112, %dma_wait3A_133] : memref<10x128xi32, #tpu.memory_space<vmem>> -> memref<1x128xi32, #tpu.memory_space<vmem>>
        %dma_wait3A_135 = tpu.memref_squeeze %dma_wait3A_134 : memref<1x128xi32, #tpu.memory_space<vmem>> -> memref<128xi32, #tpu.memory_space<vmem>>
        %dma_wait3A_136 = arith.constant 0 : i32
        %dma_wait3A_137 = tpu.memref_slice %arg10[%dma_wait3A_136] : memref<327808xf32, #tpu.memory_space<vmem_shared>> -> memref<327808xf32, #tpu.memory_space<vmem_shared>>
        tpu.wait_indirect_dma semaphore(%run_scoped3A_123 : memref<!tpu.dma_semaphore, #tpu.memory_space<semaphore_mem>>) src(%dma_wait3A_132 : memref<128xf32, #tpu.memory_space<vmem>>) dst(%dma_wait3A_137 : memref<327808xf32, #tpu.memory_space<vmem_shared>>)
        tpu.yield
      }) : () -> ()
      %barrier3A_113 = arith.constant 0 : index
      tpu.barrier barrier_id(%barrier3A_113)
      %mul3A_114 = arith.constant 20480 : i32
      %mul3A_115 = arith.muli %arg1, %mul3A_114 : i32
      "tpu.region"() ({
        %run_scoped3A_123 = tpu.sem_alloc : memref<!tpu.dma_semaphore, #tpu.memory_space<semaphore_mem>>
        %dma_start3A = tpu.memref_slice %arg10[%mul3A_115] : memref<327808xf32, #tpu.memory_space<vmem_shared>> -> memref<20480xf32, #tpu.memory_space<vmem_shared>>
        %dma_start3A_124 = tpu.memref_slice %arg10[%mul3A_115] : memref<327808xf32, #tpu.memory_space<vmem_shared>> -> memref<20480xf32, #tpu.memory_space<vmem_shared>>
        tpu.enqueue_dma source(%dma_start3A_124 : memref<20480xf32, #tpu.memory_space<vmem_shared>>) target(%arg9 : memref<20480xf32, #tpu.memory_space<vmem>>) target_semaphore(%run_scoped3A_123 : memref<!tpu.dma_semaphore, #tpu.memory_space<semaphore_mem>>)
        %dma_wait3A = tpu.memref_slice %arg10[%mul3A_115] : memref<327808xf32, #tpu.memory_space<vmem_shared>> -> memref<20480xf32, #tpu.memory_space<vmem_shared>>
        %dma_wait3A_125 = tpu.memref_slice %arg10[%mul3A_115] : memref<327808xf32, #tpu.memory_space<vmem_shared>> -> memref<20480xf32, #tpu.memory_space<vmem_shared>>
        tpu.wait_dma2 semaphore(%run_scoped3A_123 : memref<!tpu.dma_semaphore, #tpu.memory_space<semaphore_mem>>) src(%dma_wait3A_125 : memref<20480xf32, #tpu.memory_space<vmem_shared>>) dst(%arg9 : memref<20480xf32, #tpu.memory_space<vmem>>)
        tpu.yield
      }) : () -> ()
      %mul3A_116 = arith.constant 327680 : i32
      %mul3A_117 = arith.muli %scan3A_9, %mul3A_116 : i32
      %mul3A_118 = arith.constant 20480 : i32
      %mul3A_119 = arith.muli %arg1, %mul3A_118 : i32
      %add3A_120 = arith.addi %mul3A_117, %mul3A_119 : i32
      "tpu.region"() ({
        %run_scoped3A_123 = tpu.sem_alloc : memref<!tpu.dma_semaphore, #tpu.memory_space<semaphore_mem>>
        %dma_start3A = tpu.memref_slice %arg4[%add3A_120] : memref<1638400xf32, #tpu.memory_space<hbm>> -> memref<20480xf32, #tpu.memory_space<hbm>>
        %dma_start3A_124 = tpu.memref_slice %arg4[%add3A_120] : memref<1638400xf32, #tpu.memory_space<hbm>> -> memref<20480xf32, #tpu.memory_space<hbm>>
        tpu.enqueue_dma source(%arg9 : memref<20480xf32, #tpu.memory_space<vmem>>) target(%dma_start3A_124 : memref<20480xf32, #tpu.memory_space<hbm>>) target_semaphore(%run_scoped3A_123 : memref<!tpu.dma_semaphore, #tpu.memory_space<semaphore_mem>>)
        %dma_wait3A = tpu.memref_slice %arg4[%add3A_120] : memref<1638400xf32, #tpu.memory_space<hbm>> -> memref<20480xf32, #tpu.memory_space<hbm>>
        %dma_wait3A_125 = tpu.memref_slice %arg4[%add3A_120] : memref<1638400xf32, #tpu.memory_space<hbm>> -> memref<20480xf32, #tpu.memory_space<hbm>>
        tpu.wait_dma2 semaphore(%run_scoped3A_123 : memref<!tpu.dma_semaphore, #tpu.memory_space<semaphore_mem>>) src(%arg9 : memref<20480xf32, #tpu.memory_space<vmem>>) dst(%dma_wait3A_125 : memref<20480xf32, #tpu.memory_space<hbm>>)
        tpu.yield
      }) : () -> ()
      %barrier3A_121 = arith.constant 0 : index
      tpu.barrier barrier_id(%barrier3A_121)
      %scan3A_122 = arith.constant 0 : i32
      scf.yield %scan3A_122 : i32
    }
    %scan3A_8 = arith.constant 5 : i32
    return
  }
}

module attributes {stable_mosaic.version = 14 : i64} {
  func.func @_norm_kernel(%arg0: memref<1280x1280xf32, #tpu.memory_space<vmem>>, %arg1: memref<1280x1280xf32, #tpu.memory_space<vmem>>, %arg2: memref<1280x1280xbf16, #tpu.memory_space<vmem>>, %arg3: memref<1280x1280xbf16, #tpu.memory_space<vmem>>) attributes {dimension_semantics = [], scalar_prefetch = 0 : i64, scratch_operands = 0 : i64, tpu.core_type = #tpu.core_type<tc>} {
    %get3A = arith.constant 0 : index
    %get3A_0 = arith.constant 0 : index
    %get3A_1 = vector.load %arg0[%get3A, %get3A_0] : memref<1280x1280xf32, #tpu.memory_space<vmem>>, vector<1280x1280xf32>
    %reduce_sum3A = arith.constant dense<0.000000e+00> : vector<1280xf32>
    %reduce_sum3A_2 = vector.multi_reduction <add>, %get3A_1, %reduce_sum3A [1] : vector<1280x1280xf32> to vector<1280xf32>
    %broadcast_in_dim3A = vector.shape_cast %reduce_sum3A_2 : vector<1280xf32> to vector<1280x1xf32>
    %gt3A = arith.constant 0.000000e+00 : f32
    %gt3A_3 = vector.broadcast %gt3A : f32 to vector<1280x1xf32>
    %gt3A_4 = arith.cmpf ogt, %broadcast_in_dim3A, %gt3A_3 : vector<1280x1xf32>
    %max3A = arith.constant 9.99999996E-13 : f32
    %max3A_5 = vector.broadcast %max3A : f32 to vector<1280x1xf32>
    %max3A_6 = arith.maximumf %broadcast_in_dim3A, %max3A_5 : vector<1280x1xf32>
    %sqrt3A = math.sqrt %max3A_6 : vector<1280x1xf32>
    %div3A = arith.constant 1.000000e+00 : f32
    %div3A_7 = vector.broadcast %div3A : f32 to vector<1280x1xf32>
    %div3A_8 = arith.divf %div3A_7, %sqrt3A : vector<1280x1xf32>
    %jit3A = arith.constant 0.000000e+00 : f32
    %broadcast_in_dim3A_9 = vector.broadcast %jit3A : f32 to vector<1280x1xf32>
    %select_n3A = arith.select %gt3A_4, %div3A_8, %broadcast_in_dim3A_9 : vector<1280x1xi1>, vector<1280x1xf32>
    %mul3A = vector.broadcast %select_n3A : vector<1280x1xf32> to vector<1280x1280xf32>
    %mul3A_10 = arith.mulf %mul3A, %get3A_1 : vector<1280x1280xf32>
    %neg3A = arith.constant 0.000000e+00 : f32
    %neg3A_11 = vector.broadcast %neg3A : f32 to vector<1280x1280xf32>
    %neg3A_12 = arith.subf %neg3A_11, %mul3A_10 : vector<1280x1280xf32>
    %transpose3A = tpu.transpose %select_n3A, [1, 0] : vector<1280x1xf32> -> vector<1x1280xf32>
    %mul3A_13 = vector.broadcast %transpose3A : vector<1x1280xf32> to vector<1280x1280xf32>
    %mul3A_14 = arith.mulf %neg3A_12, %mul3A_13 : vector<1280x1280xf32>
    %swap3A = arith.constant 0 : index
    %swap3A_15 = arith.constant 0 : index
    %swap3A_16 = vector.load %arg1[%swap3A, %swap3A_15] : memref<1280x1280xf32, #tpu.memory_space<vmem>>, vector<1280x1280xf32>
    tpu.vector_store %arg1[%swap3A, %swap3A_15], %mul3A_14 {strides = array<i32>} : memref<1280x1280xf32, #tpu.memory_space<vmem>>, vector<1280x1280xf32>,
    %convert_element_type3A = arith.truncf %mul3A_14 : vector<1280x1280xf32> to vector<1280x1280xbf16>
    %swap3A_17 = arith.constant 0 : index
    %swap3A_18 = arith.constant 0 : index
    %swap3A_19 = vector.load %arg2[%swap3A_17, %swap3A_18] : memref<1280x1280xbf16, #tpu.memory_space<vmem>>, vector<1280x1280xbf16>
    tpu.vector_store %arg2[%swap3A_17, %swap3A_18], %convert_element_type3A {strides = array<i32>} : memref<1280x1280xbf16, #tpu.memory_space<vmem>>, vector<1280x1280xbf16>,
    %convert_element_type3A_20 = arith.extf %convert_element_type3A : vector<1280x1280xbf16> to vector<1280x1280xf32>
    %sub3A = arith.subf %mul3A_14, %convert_element_type3A_20 : vector<1280x1280xf32>
    %convert_element_type3A_21 = arith.truncf %sub3A : vector<1280x1280xf32> to vector<1280x1280xbf16>
    %swap3A_22 = arith.constant 0 : index
    %swap3A_23 = arith.constant 0 : index
    %swap3A_24 = vector.load %arg3[%swap3A_22, %swap3A_23] : memref<1280x1280xbf16, #tpu.memory_space<vmem>>, vector<1280x1280xbf16>
    tpu.vector_store %arg3[%swap3A_22, %swap3A_23], %convert_element_type3A_21 {strides = array<i32>} : memref<1280x1280xbf16, #tpu.memory_space<vmem>>, vector<1280x1280xbf16>,
    return
  }
}

module attributes {stable_mosaic.version = 14 : i64} {
  func.func @_prop_kernel(%arg0: i32, %arg1: memref<1280x1280xbf16, #tpu.memory_space<vmem>>, %arg2: memref<1280x1280xbf16, #tpu.memory_space<vmem>>, %arg3: memref<1x17x16x1280xf32, #tpu.memory_space<vmem>>, %arg4: memref<1x17x16x1280xf32, #tpu.memory_space<vmem>>) attributes {dimension_semantics = [#tpu.dimension_semantics<parallel>], iteration_bounds = array<i64: 32>, scalar_prefetch = 0 : i64, scratch_operands = 0 : i64, tpu.core_type = #tpu.core_type<tc>, window_params = [{pipeline_mode = #tpu.pipeline_mode<synchronous>, transform_indices = @transform_0, window_bounds = array<i64: 1280, 1280>}, {pipeline_mode = #tpu.pipeline_mode<synchronous>, transform_indices = @transform_1, window_bounds = array<i64: 1280, 1280>}, {transform_indices = @transform_2, window_bounds = array<i64: 1, 17, 16, 1280>}, {transform_indices = @transform_3, window_bounds = array<i64: 1, 17, 16, 1280>}]} {
    %get3A = arith.constant 0 : index
    %get3A_0 = arith.constant 0 : index
    %get3A_1 = arith.constant 0 : index
    %get3A_2 = arith.constant 0 : index
    %get3A_3 = vector.load %arg3[%get3A, %get3A_0, %get3A_1, %get3A_2] : memref<1x17x16x1280xf32, #tpu.memory_space<vmem>>, vector<1x17x16x1280xf32>
    %get3A_4 = vector.shape_cast %get3A_3 : vector<1x17x16x1280xf32> to vector<17x16x1280xf32>
    %reshape3A = vector.shape_cast %get3A_4 : vector<17x16x1280xf32> to vector<272x1280xf32>
    %convert_element_type3A = arith.truncf %reshape3A : vector<272x1280xf32> to vector<272x1280xbf16>
    %convert_element_type3A_5 = arith.extf %convert_element_type3A : vector<272x1280xbf16> to vector<272x1280xf32>
    %sub3A = arith.subf %reshape3A, %convert_element_type3A_5 : vector<272x1280xf32>
    %convert_element_type3A_6 = arith.truncf %sub3A : vector<272x1280xf32> to vector<272x1280xbf16>
    %get3A_7 = arith.constant 0 : index
    %get3A_8 = arith.constant 0 : index
    %get3A_9 = vector.load %arg1[%get3A_7, %get3A_8] : memref<1280x1280xbf16, #tpu.memory_space<vmem>>, vector<1280x1280xbf16>
    %dot_general3A = arith.constant dense<0.000000e+00> : vector<272x1280xf32>
    %dot_general3A_10 = tpu.matmul %convert_element_type3A, %get3A_9, %dot_general3A {dimension_numbers = #tpu.dot_dimension_numbers<[1], [0], [0], [1], [0, 0, 1, 1], [], []>, transpose_lhs_hint = false} : vector<272x1280xbf16>, vector<1280x1280xbf16>, vector<272x1280xf32> -> vector<272x1280xf32>
    %get3A_11 = arith.constant 0 : index
    %get3A_12 = arith.constant 0 : index
    %get3A_13 = vector.load %arg2[%get3A_11, %get3A_12] : memref<1280x1280xbf16, #tpu.memory_space<vmem>>, vector<1280x1280xbf16>
    %dot_general3A_14 = arith.constant dense<0.000000e+00> : vector<272x1280xf32>
    %dot_general3A_15 = tpu.matmul %convert_element_type3A, %get3A_13, %dot_general3A_14 {dimension_numbers = #tpu.dot_dimension_numbers<[1], [0], [0], [1], [0, 0, 1, 1], [], []>, transpose_lhs_hint = false} : vector<272x1280xbf16>, vector<1280x1280xbf16>, vector<272x1280xf32> -> vector<272x1280xf32>
    %add3A = arith.addf %dot_general3A_10, %dot_general3A_15 : vector<272x1280xf32>
    %get3A_16 = arith.constant 0 : index
    %get3A_17 = arith.constant 0 : index
    %get3A_18 = vector.load %arg1[%get3A_16, %get3A_17] : memref<1280x1280xbf16, #tpu.memory_space<vmem>>, vector<1280x1280xbf16>
    %dot_general3A_19 = arith.constant dense<0.000000e+00> : vector<272x1280xf32>
    %dot_general3A_20 = tpu.matmul %convert_element_type3A_6, %get3A_18, %dot_general3A_19 {dimension_numbers = #tpu.dot_dimension_numbers<[1], [0], [0], [1], [0, 0, 1, 1], [], []>, transpose_lhs_hint = false} : vector<272x1280xbf16>, vector<1280x1280xbf16>, vector<272x1280xf32> -> vector<272x1280xf32>
    %add3A_21 = arith.addf %add3A, %dot_general3A_20 : vector<272x1280xf32>
    %reshape3A_22 = vector.shape_cast %add3A_21 : vector<272x1280xf32> to vector<17x16x1280xf32>
    %swap3A = arith.constant 0 : index
    %swap3A_23 = arith.constant 0 : index
    %swap3A_24 = arith.constant 0 : index
    %swap3A_25 = arith.constant 0 : index
    %swap3A_26 = vector.load %arg4[%swap3A, %swap3A_23, %swap3A_24, %swap3A_25] : memref<1x17x16x1280xf32, #tpu.memory_space<vmem>>, vector<1x17x16x1280xf32>
    %swap3A_27 = vector.shape_cast %swap3A_26 : vector<1x17x16x1280xf32> to vector<17x16x1280xf32>
    %swap3A_28 = vector.shape_cast %reshape3A_22 : vector<17x16x1280xf32> to vector<1x17x16x1280xf32>
    tpu.vector_store %arg4[%swap3A, %swap3A_23, %swap3A_24, %swap3A_25], %swap3A_28 {strides = array<i32>} : memref<1x17x16x1280xf32, #tpu.memory_space<vmem>>, vector<1x17x16x1280xf32>,
    return
  }
  func.func @transform_0(%arg0: i32) -> (i32, i32) {
    %c0_i32 = arith.constant 0 : i32
    %c0_i32_0 = arith.constant 0 : i32
    %c0_i32_1 = arith.constant 0 : i32
    return %c0_i32, %c0_i32_0 : i32, i32
  }
  func.func @transform_1(%arg0: i32) -> (i32, i32) {
    %c0_i32 = arith.constant 0 : i32
    %c0_i32_0 = arith.constant 0 : i32
    %c0_i32_1 = arith.constant 0 : i32
    return %c0_i32, %c0_i32_0 : i32, i32
  }
  func.func @transform_2(%arg0: i32) -> (i32, i32, i32, i32) {
    %c0_i32 = arith.constant 0 : i32
    %c0_i32_0 = arith.constant 0 : i32
    %c0_i32_1 = arith.constant 0 : i32
    %c0_i32_2 = arith.constant 0 : i32
    return %arg0, %c0_i32, %c0_i32_0, %c0_i32_1 : i32, i32, i32, i32
  }
  func.func @transform_3(%arg0: i32) -> (i32, i32, i32, i32) {
    %c0_i32 = arith.constant 0 : i32
    %c0_i32_0 = arith.constant 0 : i32
    %c0_i32_1 = arith.constant 0 : i32
    %c0_i32_2 = arith.constant 0 : i32
    return %arg0, %c0_i32, %c0_i32_0, %c0_i32_1 : i32, i32, i32, i32
  }
}

module attributes {stable_mosaic.version = 14 : i64} {
  func.func @_rec_kernel(%arg0: i32, %arg1: memref<1280x1280xf32, #tpu.memory_space<vmem>>, %arg2: memref<32x1x16x1280xf32, #tpu.memory_space<vmem>>, %arg3: memref<32x1x16x1280xf32, #tpu.memory_space<vmem>>, %arg4: memref<32x32xf32, #tpu.memory_space<vmem>>, %arg5: memref<192x48xf32, #tpu.memory_space<vmem>>, %arg6: memref<192x64xf32, #tpu.memory_space<vmem>>, %arg7: memref<8x64xf32, #tpu.memory_space<vmem>>, %arg8: memref<192x1xf32, #tpu.memory_space<vmem>>, %arg9: memref<192x1xf32, #tpu.memory_space<vmem>>, %arg10: memref<32x1xf32, #tpu.memory_space<vmem>>, %arg11: memref<8x1xf32, #tpu.memory_space<vmem>>, %arg12: memref<32x8x1280xf32, #tpu.memory_space<vmem>>, %arg13: memref<32x64x1280xf32, #tpu.memory_space<vmem>>, %arg14: memref<32x8x1280xf32, #tpu.memory_space<vmem>>, %arg15: memref<32x1280xf32, #tpu.memory_space<vmem>>, %arg16: memref<32x1280xf32, #tpu.memory_space<vmem>>) attributes {dimension_semantics = [#tpu.dimension_semantics<arbitrary>], iteration_bounds = array<i64: 17>, scalar_prefetch = 0 : i64, scratch_operands = 4 : i64, tpu.core_type = #tpu.core_type<tc>, window_params = [{pipeline_mode = #tpu.pipeline_mode<synchronous>, transform_indices = @transform_0, window_bounds = array<i64: 1280, 1280>}, {transform_indices = @transform_1, window_bounds = array<i64: 32, 1, 16, 1280>}, {transform_indices = @transform_2, window_bounds = array<i64: 32, 1, 16, 1280>}, {pipeline_mode = #tpu.pipeline_mode<synchronous>, transform_indices = @transform_3, window_bounds = array<i64: 32, 32>}, {pipeline_mode = #tpu.pipeline_mode<synchronous>, transform_indices = @transform_4, window_bounds = array<i64: 192, 48>}, {pipeline_mode = #tpu.pipeline_mode<synchronous>, transform_indices = @transform_5, window_bounds = array<i64: 192, 64>}, {pipeline_mode = #tpu.pipeline_mode<synchronous>, transform_indices = @transform_6, window_bounds = array<i64: 8, 64>}, {pipeline_mode = #tpu.pipeline_mode<synchronous>, transform_indices = @transform_7, window_bounds = array<i64: 192, 1>}, {pipeline_mode = #tpu.pipeline_mode<synchronous>, transform_indices = @transform_8, window_bounds = array<i64: 192, 1>}, {pipeline_mode = #tpu.pipeline_mode<synchronous>, transform_indices = @transform_9, window_bounds = array<i64: 32, 1>}, {pipeline_mode = #tpu.pipeline_mode<synchronous>, transform_indices = @transform_10, window_bounds = array<i64: 8, 1>}, {pipeline_mode = #tpu.pipeline_mode<synchronous>, transform_indices = @transform_11, window_bounds = array<i64: 32, 8, 1280>}]} {
    %ge3A = arith.constant 12 : i32
    %ge3A_0 = arith.cmpi sge, %arg0, %ge3A : i32
    %eq3A = arith.constant 0 : i32
    %eq3A_1 = arith.cmpi eq, %arg0, %eq3A : i32
    %convert_element_type3A = arith.extui %eq3A_1 : i1 to i32
    %cond3A = arith.constant 0 : i32
    %cond3A_2 = arith.cmpi ne, %convert_element_type3A, %cond3A : i32
    scf.if %cond3A_2 {
      %broadcast_in_dim3A = arith.constant 0.000000e+00 : f32
      %broadcast_in_dim3A_38 = vector.broadcast %broadcast_in_dim3A : f32 to vector<32x64x1280xf32>
      %swap3A = arith.constant 0 : index
      %swap3A_39 = arith.constant 0 : index
      %swap3A_40 = arith.constant 0 : index
      %swap3A_41 = vector.load %arg13[%swap3A, %swap3A_39, %swap3A_40] : memref<32x64x1280xf32, #tpu.memory_space<vmem>>, vector<32x64x1280xf32>
      tpu.vector_store %arg13[%swap3A, %swap3A_39, %swap3A_40], %broadcast_in_dim3A_38 {strides = array<i32>} : memref<32x64x1280xf32, #tpu.memory_space<vmem>>, vector<32x64x1280xf32>,
      %broadcast_in_dim3A_42 = arith.constant 0.000000e+00 : f32
      %broadcast_in_dim3A_43 = vector.broadcast %broadcast_in_dim3A_42 : f32 to vector<32x1280xf32>
      %swap3A_44 = arith.constant 0 : index
      %swap3A_45 = arith.constant 0 : index
      %swap3A_46 = vector.load %arg15[%swap3A_44, %swap3A_45] : memref<32x1280xf32, #tpu.memory_space<vmem>>, vector<32x1280xf32>
      tpu.vector_store %arg15[%swap3A_44, %swap3A_45], %broadcast_in_dim3A_43 {strides = array<i32>} : memref<32x1280xf32, #tpu.memory_space<vmem>>, vector<32x1280xf32>,
      %broadcast_in_dim3A_47 = arith.constant 0.000000e+00 : f32
      %broadcast_in_dim3A_48 = vector.broadcast %broadcast_in_dim3A_47 : f32 to vector<32x1280xf32>
      %swap3A_49 = arith.constant 0 : index
      %swap3A_50 = arith.constant 0 : index
      %swap3A_51 = vector.load %arg16[%swap3A_49, %swap3A_50] : memref<32x1280xf32, #tpu.memory_space<vmem>>, vector<32x1280xf32>
      tpu.vector_store %arg16[%swap3A_49, %swap3A_50], %broadcast_in_dim3A_48 {strides = array<i32>} : memref<32x1280xf32, #tpu.memory_space<vmem>>, vector<32x1280xf32>,
    } else {
    }
    %convert_element_type3A_3 = arith.extui %ge3A_0 : i1 to i32
    %cond3A_4 = arith.constant 0 : i32
    %cond3A_5 = arith.cmpi ne, %convert_element_type3A_3, %cond3A_4 : i32
    scf.if %cond3A_5 {
      %scan3A_38 = arith.constant 0 : i32
      %scan3A_39 = arith.constant 32 : i32
      %scan3A_40 = arith.addi %scan3A_38, %scan3A_39 : i32
      %scan3A_41 = arith.constant 1 : i32
      scf.for %scan3A_52 = %scan3A_38 to %scan3A_40 step %scan3A_41  : i32 {
        %get3A_53 = arith.constant 0 : index
        %get3A_54 = arith.constant 0 : index
        %get3A_55 = vector.load %arg7[%get3A_53, %get3A_54] : memref<8x64xf32, #tpu.memory_space<vmem>>, vector<8x64xf32>
        %get3A_56 = arith.index_cast %scan3A_52 : i32 to index
        %get3A_57 = arith.constant 0 : index
        %get3A_58 = arith.constant 0 : index
        %get3A_59 = vector.load %arg13[%get3A_56, %get3A_57, %get3A_58] : memref<32x64x1280xf32, #tpu.memory_space<vmem>>, vector<1x64x1280xf32>
        %get3A_60 = vector.shape_cast %get3A_59 : vector<1x64x1280xf32> to vector<64x1280xf32>
        %dot_general3A_61 = arith.constant dense<0.000000e+00> : vector<8x1280xf32>
        %dot_general3A_62 = tpu.matmul %get3A_55, %get3A_60, %dot_general3A_61 {dimension_numbers = #tpu.dot_dimension_numbers<[1], [0], [0], [1], [0, 0, 1, 1], [], []>, precision = #tpu.contract_precision<fp32>, transpose_lhs_hint = false} : vector<8x64xf32>, vector<64x1280xf32>, vector<8x1280xf32> -> vector<8x1280xf32>
        %get3A_63 = arith.constant 0 : index
        %get3A_64 = arith.constant 0 : index
        %get3A_65 = vector.load %arg11[%get3A_63, %get3A_64] : memref<8x1xf32, #tpu.memory_space<vmem>>, vector<8x1xf32>
        %add3A = vector.broadcast %get3A_65 : vector<8x1xf32> to vector<8x1280xf32>
        %add3A_66 = arith.addf %dot_general3A_62, %add3A : vector<8x1280xf32>
        %slice3A = vector.extract_strided_slice %add3A_66 {offsets = [0, 0], sizes = [1, 1280], strides = [1, 1]} : vector<8x1280xf32> to vector<1x1280xf32>
        %swap3A_67 = arith.index_cast %scan3A_52 : i32 to index
        %swap3A_68 = arith.constant 0 : index
        %swap3A_69 = vector.load %arg15[%swap3A_67, %swap3A_68] : memref<32x1280xf32, #tpu.memory_space<vmem>>, vector<1x1280xf32>
        tpu.vector_store %arg15[%swap3A_67, %swap3A_68], %slice3A {strides = array<i32>} : memref<32x1280xf32, #tpu.memory_space<vmem>>, vector<1x1280xf32>,
      }
      %scan3A_42 = arith.constant 32 : i32
      %get3A_43 = arith.constant 0 : index
      %get3A_44 = arith.constant 0 : index
      %get3A_45 = vector.load %arg15[%get3A_43, %get3A_44] : memref<32x1280xf32, #tpu.memory_space<vmem>>, vector<32x1280xf32>
      %get3A_46 = arith.constant 0 : index
      %get3A_47 = arith.constant 0 : index
      %get3A_48 = vector.load %arg1[%get3A_46, %get3A_47] : memref<1280x1280xf32, #tpu.memory_space<vmem>>, vector<1280x1280xf32>
      %dot_general3A = arith.constant dense<0.000000e+00> : vector<32x1280xf32>
      %dot_general3A_49 = tpu.matmul %get3A_45, %get3A_48, %dot_general3A {dimension_numbers = #tpu.dot_dimension_numbers<[1], [0], [0], [1], [0, 0, 1, 1], [], []>, precision = #tpu.contract_precision<fp32>, transpose_lhs_hint = false} : vector<32x1280xf32>, vector<1280x1280xf32>, vector<32x1280xf32> -> vector<32x1280xf32>
      %swap3A = arith.constant 0 : index
      %swap3A_50 = arith.constant 0 : index
      %swap3A_51 = vector.load %arg16[%swap3A, %swap3A_50] : memref<32x1280xf32, #tpu.memory_space<vmem>>, vector<32x1280xf32>
      tpu.vector_store %arg16[%swap3A, %swap3A_50], %dot_general3A_49 {strides = array<i32>} : memref<32x1280xf32, #tpu.memory_space<vmem>>, vector<32x1280xf32>,
    } else {
    }
    %iota3A = tpu.iota {dimensions = array<i32: 0>} : vector<16x1280xi32>
    %iota3A_6 = tpu.iota {dimensions = array<i32: 0>} : vector<8x1280xi32>
    %sub3A = arith.constant 11 : i32
    %sub3A_7 = arith.subi %arg0, %sub3A : i32
    %jit3A = arith.constant 1.000000e+00 : f32
    %jit3A_8 = arith.constant 0.000000e+00 : f32
    %select_n3A = arith.select %ge3A_0, %jit3A, %jit3A_8 : f32
    %get3A = arith.constant 0 : index
    %get3A_9 = arith.constant 0 : index
    %get3A_10 = vector.load %arg4[%get3A, %get3A_9] : memref<32x32xf32, #tpu.memory_space<vmem>>, vector<32x32xf32>
    %convert_element_type3A_11 = arith.truncf %get3A_10 : vector<32x32xf32> to vector<32x32xbf16>
    %convert_element_type3A_12 = arith.extf %convert_element_type3A_11 : vector<32x32xbf16> to vector<32x32xf32>
    %sub3A_13 = arith.subf %get3A_10, %convert_element_type3A_12 : vector<32x32xf32>
    %convert_element_type3A_14 = arith.truncf %sub3A_13 : vector<32x32xf32> to vector<32x32xbf16>
    %get3A_15 = arith.constant 0 : index
    %get3A_16 = arith.constant 0 : index
    %get3A_17 = vector.load %arg5[%get3A_15, %get3A_16] : memref<192x48xf32, #tpu.memory_space<vmem>>, vector<192x48xf32>
    %convert_element_type3A_18 = arith.truncf %get3A_17 : vector<192x48xf32> to vector<192x48xbf16>
    %convert_element_type3A_19 = arith.extf %convert_element_type3A_18 : vector<192x48xbf16> to vector<192x48xf32>
    %sub3A_20 = arith.subf %get3A_17, %convert_element_type3A_19 : vector<192x48xf32>
    %convert_element_type3A_21 = arith.truncf %sub3A_20 : vector<192x48xf32> to vector<192x48xbf16>
    %get3A_22 = arith.constant 0 : index
    %get3A_23 = arith.constant 0 : index
    %get3A_24 = vector.load %arg6[%get3A_22, %get3A_23] : memref<192x64xf32, #tpu.memory_space<vmem>>, vector<192x64xf32>
    %convert_element_type3A_25 = arith.truncf %get3A_24 : vector<192x64xf32> to vector<192x64xbf16>
    %convert_element_type3A_26 = arith.extf %convert_element_type3A_25 : vector<192x64xbf16> to vector<192x64xf32>
    %sub3A_27 = arith.subf %get3A_24, %convert_element_type3A_26 : vector<192x64xf32>
    %convert_element_type3A_28 = arith.truncf %sub3A_27 : vector<192x64xf32> to vector<192x64xbf16>
    %scan3A = arith.constant 0 : i32
    %scan3A_29 = arith.constant 32 : i32
    %scan3A_30 = arith.addi %scan3A, %scan3A_29 : i32
    %scan3A_31 = arith.constant 1 : i32
    scf.for %scan3A_38 = %scan3A to %scan3A_30 step %scan3A_31  : i32 {
      %get3A_39 = arith.index_cast %scan3A_38 : i32 to index
      %get3A_40 = arith.constant 0 : index
      %get3A_41 = arith.constant 0 : index
      %get3A_42 = vector.load %arg13[%get3A_39, %get3A_40, %get3A_41] : memref<32x64x1280xf32, #tpu.memory_space<vmem>>, vector<1x64x1280xf32>
      %get3A_43 = vector.shape_cast %get3A_42 : vector<1x64x1280xf32> to vector<64x1280xf32>
      %get3A_44 = arith.index_cast %scan3A_38 : i32 to index
      %get3A_45 = arith.constant 0 : index
      %get3A_46 = arith.constant 0 : index
      %get3A_47 = arith.constant 0 : index
      %get3A_48 = vector.load %arg2[%get3A_44, %get3A_45, %get3A_46, %get3A_47] : memref<32x1x16x1280xf32, #tpu.memory_space<vmem>>, vector<1x1x16x1280xf32>
      %get3A_49 = vector.shape_cast %get3A_48 : vector<1x1x16x1280xf32> to vector<16x1280xf32>
      %get3A_50 = arith.index_cast %scan3A_38 : i32 to index
      %get3A_51 = arith.constant 0 : index
      %get3A_52 = arith.constant 0 : index
      %get3A_53 = arith.constant 0 : index
      %get3A_54 = vector.load %arg3[%get3A_50, %get3A_51, %get3A_52, %get3A_53] : memref<32x1x16x1280xf32, #tpu.memory_space<vmem>>, vector<1x1x16x1280xf32>
      %get3A_55 = vector.shape_cast %get3A_54 : vector<1x1x16x1280xf32> to vector<16x1280xf32>
      %get3A_56 = arith.index_cast %scan3A_38 : i32 to index
      %get3A_57 = arith.constant 0 : index
      %get3A_58 = vector.load %arg15[%get3A_56, %get3A_57] : memref<32x1280xf32, #tpu.memory_space<vmem>>, vector<1x1280xf32>
      %get3A_59 = arith.index_cast %scan3A_38 : i32 to index
      %get3A_60 = arith.constant 0 : index
      %get3A_61 = vector.load %arg16[%get3A_59, %get3A_60] : memref<32x1280xf32, #tpu.memory_space<vmem>>, vector<1x1280xf32>
      %eq3A_62 = arith.constant 0 : i32
      %eq3A_63 = vector.broadcast %eq3A_62 : i32 to vector<16x1280xi32>
      %eq3A_64 = arith.cmpi eq, %iota3A, %eq3A_63 : vector<16x1280xi32>
      %and3A = vector.broadcast %ge3A_0 : i1 to vector<16x1280xi1>
      %and3A_65 = arith.andi %eq3A_64, %and3A : vector<16x1280xi1>
      %broadcast_in_dim3A = vector.shape_cast %get3A_58 : vector<1x1280xf32> to vector<1x1280xf32>
      %broadcast_in_dim3A_66 = vector.broadcast %broadcast_in_dim3A : vector<1x1280xf32> to vector<16x1280xf32>
      %select_n3A_67 = arith.select %and3A_65, %broadcast_in_dim3A_66, %get3A_49 : vector<16x1280xi1>, vector<16x1280xf32>
      %concatenate3A = tpu.concatenate %select_n3A_67, %get3A_55 in 0 : vector<16x1280xf32>, vector<16x1280xf32> -> vector<32x1280xf32>
      %convert_element_type3A_68 = arith.truncf %concatenate3A : vector<32x1280xf32> to vector<32x1280xbf16>
      %convert_element_type3A_69 = arith.extf %convert_element_type3A_68 : vector<32x1280xbf16> to vector<32x1280xf32>
      %sub3A_70 = arith.subf %concatenate3A, %convert_element_type3A_69 : vector<32x1280xf32>
      %convert_element_type3A_71 = arith.truncf %sub3A_70 : vector<32x1280xf32> to vector<32x1280xbf16>
      %dot_general3A = arith.constant dense<0.000000e+00> : vector<32x1280xf32>
      %dot_general3A_72 = tpu.matmul %convert_element_type3A_11, %convert_element_type3A_68, %dot_general3A {dimension_numbers = #tpu.dot_dimension_numbers<[1], [0], [0], [1], [0, 0, 1, 1], [], []>, transpose_lhs_hint = false} : vector<32x32xbf16>, vector<32x1280xbf16>, vector<32x1280xf32> -> vector<32x1280xf32>
      %dot_general3A_73 = arith.constant dense<0.000000e+00> : vector<32x1280xf32>
      %dot_general3A_74 = tpu.matmul %convert_element_type3A_11, %convert_element_type3A_71, %dot_general3A_73 {dimension_numbers = #tpu.dot_dimension_numbers<[1], [0], [0], [1], [0, 0, 1, 1], [], []>, transpose_lhs_hint = false} : vector<32x32xbf16>, vector<32x1280xbf16>, vector<32x1280xf32> -> vector<32x1280xf32>
      %add3A = arith.addf %dot_general3A_72, %dot_general3A_74 : vector<32x1280xf32>
      %dot_general3A_75 = arith.constant dense<0.000000e+00> : vector<32x1280xf32>
      %dot_general3A_76 = tpu.matmul %convert_element_type3A_14, %convert_element_type3A_68, %dot_general3A_75 {dimension_numbers = #tpu.dot_dimension_numbers<[1], [0], [0], [1], [0, 0, 1, 1], [], []>, transpose_lhs_hint = false} : vector<32x32xbf16>, vector<32x1280xbf16>, vector<32x1280xf32> -> vector<32x1280xf32>
      %add3A_77 = arith.addf %add3A, %dot_general3A_76 : vector<32x1280xf32>
      %get3A_78 = arith.constant 0 : index
      %get3A_79 = arith.constant 16 : index
      %get3A_80 = vector.load %arg4[%get3A_78, %get3A_79] : memref<32x32xf32, #tpu.memory_space<vmem>>, vector<32x1xf32>
      %mul3A = vector.broadcast %select_n3A : f32 to vector<1x1280xf32>
      %mul3A_81 = arith.mulf %mul3A, %get3A_61 : vector<1x1280xf32>
      %mul3A_82 = vector.broadcast %get3A_80 : vector<32x1xf32> to vector<32x1280xf32>
      %mul3A_83 = vector.broadcast %mul3A_81 : vector<1x1280xf32> to vector<32x1280xf32>
      %mul3A_84 = arith.mulf %mul3A_82, %mul3A_83 : vector<32x1280xf32>
      %add3A_85 = arith.addf %add3A_77, %mul3A_84 : vector<32x1280xf32>
      %get3A_86 = arith.constant 0 : index
      %get3A_87 = arith.constant 0 : index
      %get3A_88 = vector.load %arg10[%get3A_86, %get3A_87] : memref<32x1xf32, #tpu.memory_space<vmem>>, vector<32x1xf32>
      %add3A_89 = vector.broadcast %get3A_88 : vector<32x1xf32> to vector<32x1280xf32>
      %add3A_90 = arith.addf %add3A_85, %add3A_89 : vector<32x1280xf32>
      %logistic3A = arith.negf %add3A_90 : vector<32x1280xf32>
      %logistic3A_91 = math.exp %logistic3A : vector<32x1280xf32>
      %logistic3A_92 = arith.constant 1.000000e+00 : f32
      %logistic3A_93 = vector.broadcast %logistic3A_92 : f32 to vector<32x1280xf32>
      %logistic3A_94 = arith.addf %logistic3A_93, %logistic3A_91 : vector<32x1280xf32>
      %logistic3A_95 = arith.divf %logistic3A_93, %logistic3A_94 : vector<32x1280xf32>
      %concatenate3A_96 = tpu.concatenate %select_n3A_67, %logistic3A_95 in 0 : vector<16x1280xf32>, vector<32x1280xf32> -> vector<48x1280xf32>
      %convert_element_type3A_97 = arith.truncf %concatenate3A_96 : vector<48x1280xf32> to vector<48x1280xbf16>
      %convert_element_type3A_98 = arith.extf %convert_element_type3A_97 : vector<48x1280xbf16> to vector<48x1280xf32>
      %sub3A_99 = arith.subf %concatenate3A_96, %convert_element_type3A_98 : vector<48x1280xf32>
      %convert_element_type3A_100 = arith.truncf %sub3A_99 : vector<48x1280xf32> to vector<48x1280xbf16>
      %dot_general3A_101 = arith.constant dense<0.000000e+00> : vector<192x1280xf32>
      %dot_general3A_102 = tpu.matmul %convert_element_type3A_18, %convert_element_type3A_97, %dot_general3A_101 {dimension_numbers = #tpu.dot_dimension_numbers<[1], [0], [0], [1], [0, 0, 1, 1], [], []>, transpose_lhs_hint = false} : vector<192x48xbf16>, vector<48x1280xbf16>, vector<192x1280xf32> -> vector<192x1280xf32>
      %dot_general3A_103 = arith.constant dense<0.000000e+00> : vector<192x1280xf32>
      %dot_general3A_104 = tpu.matmul %convert_element_type3A_18, %convert_element_type3A_100, %dot_general3A_103 {dimension_numbers = #tpu.dot_dimension_numbers<[1], [0], [0], [1], [0, 0, 1, 1], [], []>, transpose_lhs_hint = false} : vector<192x48xbf16>, vector<48x1280xbf16>, vector<192x1280xf32> -> vector<192x1280xf32>
      %add3A_105 = arith.addf %dot_general3A_102, %dot_general3A_104 : vector<192x1280xf32>
      %dot_general3A_106 = arith.constant dense<0.000000e+00> : vector<192x1280xf32>
      %dot_general3A_107 = tpu.matmul %convert_element_type3A_21, %convert_element_type3A_97, %dot_general3A_106 {dimension_numbers = #tpu.dot_dimension_numbers<[1], [0], [0], [1], [0, 0, 1, 1], [], []>, transpose_lhs_hint = false} : vector<192x48xbf16>, vector<48x1280xbf16>, vector<192x1280xf32> -> vector<192x1280xf32>
      %add3A_108 = arith.addf %add3A_105, %dot_general3A_107 : vector<192x1280xf32>
      %get3A_109 = arith.constant 0 : index
      %get3A_110 = arith.constant 0 : index
      %get3A_111 = vector.load %arg8[%get3A_109, %get3A_110] : memref<192x1xf32, #tpu.memory_space<vmem>>, vector<192x1xf32>
      %add3A_112 = vector.broadcast %get3A_111 : vector<192x1xf32> to vector<192x1280xf32>
      %add3A_113 = arith.addf %add3A_108, %add3A_112 : vector<192x1280xf32>
      %convert_element_type3A_114 = arith.truncf %get3A_43 : vector<64x1280xf32> to vector<64x1280xbf16>
      %convert_element_type3A_115 = arith.extf %convert_element_type3A_114 : vector<64x1280xbf16> to vector<64x1280xf32>
      %sub3A_116 = arith.subf %get3A_43, %convert_element_type3A_115 : vector<64x1280xf32>
      %convert_element_type3A_117 = arith.truncf %sub3A_116 : vector<64x1280xf32> to vector<64x1280xbf16>
      %dot_general3A_118 = arith.constant dense<0.000000e+00> : vector<192x1280xf32>
      %dot_general3A_119 = tpu.matmul %convert_element_type3A_25, %convert_element_type3A_114, %dot_general3A_118 {dimension_numbers = #tpu.dot_dimension_numbers<[1], [0], [0], [1], [0, 0, 1, 1], [], []>, transpose_lhs_hint = false} : vector<192x64xbf16>, vector<64x1280xbf16>, vector<192x1280xf32> -> vector<192x1280xf32>
      %dot_general3A_120 = arith.constant dense<0.000000e+00> : vector<192x1280xf32>
      %dot_general3A_121 = tpu.matmul %convert_element_type3A_25, %convert_element_type3A_117, %dot_general3A_120 {dimension_numbers = #tpu.dot_dimension_numbers<[1], [0], [0], [1], [0, 0, 1, 1], [], []>, transpose_lhs_hint = false} : vector<192x64xbf16>, vector<64x1280xbf16>, vector<192x1280xf32> -> vector<192x1280xf32>
      %add3A_122 = arith.addf %dot_general3A_119, %dot_general3A_121 : vector<192x1280xf32>
      %dot_general3A_123 = arith.constant dense<0.000000e+00> : vector<192x1280xf32>
      %dot_general3A_124 = tpu.matmul %convert_element_type3A_28, %convert_element_type3A_114, %dot_general3A_123 {dimension_numbers = #tpu.dot_dimension_numbers<[1], [0], [0], [1], [0, 0, 1, 1], [], []>, transpose_lhs_hint = false} : vector<192x64xbf16>, vector<64x1280xbf16>, vector<192x1280xf32> -> vector<192x1280xf32>
      %add3A_125 = arith.addf %add3A_122, %dot_general3A_124 : vector<192x1280xf32>
      %get3A_126 = arith.constant 0 : index
      %get3A_127 = arith.constant 0 : index
      %get3A_128 = vector.load %arg9[%get3A_126, %get3A_127] : memref<192x1xf32, #tpu.memory_space<vmem>>, vector<192x1xf32>
      %add3A_129 = vector.broadcast %get3A_128 : vector<192x1xf32> to vector<192x1280xf32>
      %add3A_130 = arith.addf %add3A_125, %add3A_129 : vector<192x1280xf32>
      %slice3A = vector.extract_strided_slice %add3A_113 {offsets = [0, 0], sizes = [64, 1280], strides = [1, 1]} : vector<192x1280xf32> to vector<64x1280xf32>
      %slice3A_131 = vector.extract_strided_slice %add3A_130 {offsets = [0, 0], sizes = [64, 1280], strides = [1, 1]} : vector<192x1280xf32> to vector<64x1280xf32>
      %add3A_132 = arith.addf %slice3A, %slice3A_131 : vector<64x1280xf32>
      %logistic3A_133 = arith.negf %add3A_132 : vector<64x1280xf32>
      %logistic3A_134 = math.exp %logistic3A_133 : vector<64x1280xf32>
      %logistic3A_135 = arith.constant 1.000000e+00 : f32
      %logistic3A_136 = vector.broadcast %logistic3A_135 : f32 to vector<64x1280xf32>
      %logistic3A_137 = arith.addf %logistic3A_136, %logistic3A_134 : vector<64x1280xf32>
      %logistic3A_138 = arith.divf %logistic3A_136, %logistic3A_137 : vector<64x1280xf32>
      %slice3A_139 = vector.extract_strided_slice %add3A_113 {offsets = [64, 0], sizes = [64, 1280], strides = [1, 1]} : vector<192x1280xf32> to vector<64x1280xf32>
      %slice3A_140 = vector.extract_strided_slice %add3A_130 {offsets = [64, 0], sizes = [64, 1280], strides = [1, 1]} : vector<192x1280xf32> to vector<64x1280xf32>
      %add3A_141 = arith.addf %slice3A_139, %slice3A_140 : vector<64x1280xf32>
      %logistic3A_142 = arith.negf %add3A_141 : vector<64x1280xf32>
      %logistic3A_143 = math.exp %logistic3A_142 : vector<64x1280xf32>
      %logistic3A_144 = arith.constant 1.000000e+00 : f32
      %logistic3A_145 = vector.broadcast %logistic3A_144 : f32 to vector<64x1280xf32>
      %logistic3A_146 = arith.addf %logistic3A_145, %logistic3A_143 : vector<64x1280xf32>
      %logistic3A_147 = arith.divf %logistic3A_145, %logistic3A_146 : vector<64x1280xf32>
      %slice3A_148 = vector.extract_strided_slice %add3A_113 {offsets = [128, 0], sizes = [64, 1280], strides = [1, 1]} : vector<192x1280xf32> to vector<64x1280xf32>
      %slice3A_149 = vector.extract_strided_slice %add3A_130 {offsets = [128, 0], sizes = [64, 1280], strides = [1, 1]} : vector<192x1280xf32> to vector<64x1280xf32>
      %mul3A_150 = arith.mulf %logistic3A_138, %slice3A_149 : vector<64x1280xf32>
      %add3A_151 = arith.addf %slice3A_148, %mul3A_150 : vector<64x1280xf32>
      %tanh3A = math.tanh %add3A_151 : vector<64x1280xf32>
      %sub3A_152 = arith.constant 1.000000e+00 : f32
      %sub3A_153 = vector.broadcast %sub3A_152 : f32 to vector<64x1280xf32>
      %sub3A_154 = arith.subf %sub3A_153, %logistic3A_147 : vector<64x1280xf32>
      %mul3A_155 = arith.mulf %sub3A_154, %tanh3A : vector<64x1280xf32>
      %mul3A_156 = arith.mulf %logistic3A_147, %get3A_43 : vector<64x1280xf32>
      %add3A_157 = arith.addf %mul3A_155, %mul3A_156 : vector<64x1280xf32>
      %swap3A = arith.index_cast %scan3A_38 : i32 to index
      %swap3A_158 = arith.constant 0 : index
      %swap3A_159 = arith.constant 0 : index
      %swap3A_160 = vector.load %arg13[%swap3A, %swap3A_158, %swap3A_159] : memref<32x64x1280xf32, #tpu.memory_space<vmem>>, vector<1x64x1280xf32>
      %swap3A_161 = vector.shape_cast %swap3A_160 : vector<1x64x1280xf32> to vector<64x1280xf32>
      %swap3A_162 = vector.shape_cast %add3A_157 : vector<64x1280xf32> to vector<1x64x1280xf32>
      tpu.vector_store %arg13[%swap3A, %swap3A_158, %swap3A_159], %swap3A_162 {strides = array<i32>} : memref<32x64x1280xf32, #tpu.memory_space<vmem>>, vector<1x64x1280xf32>,
      %get3A_163 = arith.constant 0 : index
      %get3A_164 = arith.constant 0 : index
      %get3A_165 = vector.load %arg7[%get3A_163, %get3A_164] : memref<8x64xf32, #tpu.memory_space<vmem>>, vector<8x64xf32>
      %dot_general3A_166 = arith.constant dense<0.000000e+00> : vector<8x1280xf32>
      %dot_general3A_167 = tpu.matmul %get3A_165, %add3A_157, %dot_general3A_166 {dimension_numbers = #tpu.dot_dimension_numbers<[1], [0], [0], [1], [0, 0, 1, 1], [], []>, precision = #tpu.contract_precision<fp32>, transpose_lhs_hint = false} : vector<8x64xf32>, vector<64x1280xf32>, vector<8x1280xf32> -> vector<8x1280xf32>
      %get3A_168 = arith.constant 0 : index
      %get3A_169 = arith.constant 0 : index
      %get3A_170 = vector.load %arg11[%get3A_168, %get3A_169] : memref<8x1xf32, #tpu.memory_space<vmem>>, vector<8x1xf32>
      %add3A_171 = vector.broadcast %get3A_170 : vector<8x1xf32> to vector<8x1280xf32>
      %add3A_172 = arith.addf %dot_general3A_167, %add3A_171 : vector<8x1280xf32>
      %slice3A_173 = vector.extract_strided_slice %add3A_172 {offsets = [0, 0], sizes = [1, 1280], strides = [1, 1]} : vector<8x1280xf32> to vector<1x1280xf32>
      %eq3A_174 = vector.broadcast %sub3A_7 : i32 to vector<8x1280xi32>
      %eq3A_175 = arith.cmpi eq, %iota3A_6, %eq3A_174 : vector<8x1280xi32>
      %get3A_176 = arith.index_cast %scan3A_38 : i32 to index
      %get3A_177 = arith.constant 0 : index
      %get3A_178 = arith.constant 0 : index
      %get3A_179 = vector.load %arg14[%get3A_176, %get3A_177, %get3A_178] : memref<32x8x1280xf32, #tpu.memory_space<vmem>>, vector<1x8x1280xf32>
      %get3A_180 = vector.shape_cast %get3A_179 : vector<1x8x1280xf32> to vector<8x1280xf32>
      %broadcast_in_dim3A_181 = vector.shape_cast %slice3A_173 : vector<1x1280xf32> to vector<1x1280xf32>
      %broadcast_in_dim3A_182 = vector.broadcast %broadcast_in_dim3A_181 : vector<1x1280xf32> to vector<8x1280xf32>
      %select_n3A_183 = arith.select %eq3A_175, %broadcast_in_dim3A_182, %get3A_180 : vector<8x1280xi1>, vector<8x1280xf32>
      %swap3A_184 = arith.index_cast %scan3A_38 : i32 to index
      %swap3A_185 = arith.constant 0 : index
      %swap3A_186 = arith.constant 0 : index
      %swap3A_187 = vector.load %arg14[%swap3A_184, %swap3A_185, %swap3A_186] : memref<32x8x1280xf32, #tpu.memory_space<vmem>>, vector<1x8x1280xf32>
      %swap3A_188 = vector.shape_cast %swap3A_187 : vector<1x8x1280xf32> to vector<8x1280xf32>
      %swap3A_189 = vector.shape_cast %select_n3A_183 : vector<8x1280xf32> to vector<1x8x1280xf32>
      tpu.vector_store %arg14[%swap3A_184, %swap3A_185, %swap3A_186], %swap3A_189 {strides = array<i32>} : memref<32x8x1280xf32, #tpu.memory_space<vmem>>, vector<1x8x1280xf32>,
    }
    %scan3A_32 = arith.constant 32 : i32
    %eq3A_33 = arith.constant 16 : i32
    %eq3A_34 = arith.cmpi eq, %arg0, %eq3A_33 : i32
    %convert_element_type3A_35 = arith.extui %eq3A_34 : i1 to i32
    %cond3A_36 = arith.constant 0 : i32
    %cond3A_37 = arith.cmpi ne, %convert_element_type3A_35, %cond3A_36 : i32
    scf.if %cond3A_37 {
      %get3A_38 = arith.constant 0 : index
      %get3A_39 = arith.constant 0 : index
      %get3A_40 = arith.constant 0 : index
      %get3A_41 = vector.load %arg14[%get3A_38, %get3A_39, %get3A_40] : memref<32x8x1280xf32, #tpu.memory_space<vmem>>, vector<32x8x1280xf32>
      %swap3A = arith.constant 0 : index
      %swap3A_42 = arith.constant 0 : index
      %swap3A_43 = arith.constant 0 : index
      %swap3A_44 = vector.load %arg12[%swap3A, %swap3A_42, %swap3A_43] : memref<32x8x1280xf32, #tpu.memory_space<vmem>>, vector<32x8x1280xf32>
      tpu.vector_store %arg12[%swap3A, %swap3A_42, %swap3A_43], %get3A_41 {strides = array<i32>} : memref<32x8x1280xf32, #tpu.memory_space<vmem>>, vector<32x8x1280xf32>,
    } else {
    }
    return
  }
  func.func @transform_0(%arg0: i32) -> (i32, i32) {
    %c0_i32 = arith.constant 0 : i32
    %c0_i32_0 = arith.constant 0 : i32
    %c0_i32_1 = arith.constant 0 : i32
    return %c0_i32, %c0_i32_0 : i32, i32
  }
  func.func @transform_1(%arg0: i32) -> (i32, i32, i32, i32) {
    %c0_i32 = arith.constant 0 : i32
    %c0_i32_0 = arith.constant 0 : i32
    %c0_i32_1 = arith.constant 0 : i32
    %c0_i32_2 = arith.constant 0 : i32
    return %c0_i32, %arg0, %c0_i32_0, %c0_i32_1 : i32, i32, i32, i32
  }
  func.func @transform_2(%arg0: i32) -> (i32, i32, i32, i32) {
    %c0_i32 = arith.constant 0 : i32
    %c0_i32_0 = arith.constant 0 : i32
    %c0_i32_1 = arith.constant 0 : i32
    %c0_i32_2 = arith.constant 0 : i32
    return %c0_i32, %arg0, %c0_i32_0, %c0_i32_1 : i32, i32, i32, i32
  }
  func.func @transform_3(%arg0: i32) -> (i32, i32) {
    %c0_i32 = arith.constant 0 : i32
    %c0_i32_0 = arith.constant 0 : i32
    %c0_i32_1 = arith.constant 0 : i32
    return %c0_i32, %c0_i32_0 : i32, i32
  }
  func.func @transform_4(%arg0: i32) -> (i32, i32) {
    %c0_i32 = arith.constant 0 : i32
    %c0_i32_0 = arith.constant 0 : i32
    %c0_i32_1 = arith.constant 0 : i32
    return %c0_i32, %c0_i32_0 : i32, i32
  }
  func.func @transform_5(%arg0: i32) -> (i32, i32) {
    %c0_i32 = arith.constant 0 : i32
    %c0_i32_0 = arith.constant 0 : i32
    %c0_i32_1 = arith.constant 0 : i32
    return %c0_i32, %c0_i32_0 : i32, i32
  }
  func.func @transform_6(%arg0: i32) -> (i32, i32) {
    %c0_i32 = arith.constant 0 : i32
    %c0_i32_0 = arith.constant 0 : i32
    %c0_i32_1 = arith.constant 0 : i32
    return %c0_i32, %c0_i32_0 : i32, i32
  }
  func.func @transform_7(%arg0: i32) -> (i32, i32) {
    %c0_i32 = arith.constant 0 : i32
    %c0_i32_0 = arith.constant 0 : i32
    %c0_i32_1 = arith.constant 0 : i32
    return %c0_i32, %c0_i32_0 : i32, i32
  }
  func.func @transform_8(%arg0: i32) -> (i32, i32) {
    %c0_i32 = arith.constant 0 : i32
    %c0_i32_0 = arith.constant 0 : i32
    %c0_i32_1 = arith.constant 0 : i32
    return %c0_i32, %c0_i32_0 : i32, i32
  }
  func.func @transform_9(%arg0: i32) -> (i32, i32) {
    %c0_i32 = arith.constant 0 : i32
    %c0_i32_0 = arith.constant 0 : i32
    %c0_i32_1 = arith.constant 0 : i32
    return %c0_i32, %c0_i32_0 : i32, i32
  }
  func.func @transform_10(%arg0: i32) -> (i32, i32) {
    %c0_i32 = arith.constant 0 : i32
    %c0_i32_0 = arith.constant 0 : i32
    %c0_i32_1 = arith.constant 0 : i32
    return %c0_i32, %c0_i32_0 : i32, i32
  }
  func.func @transform_11(%arg0: i32) -> (i32, i32, i32) {
    %c0_i32 = arith.constant 0 : i32
    %c0_i32_0 = arith.constant 0 : i32
    %c0_i32_1 = arith.constant 0 : i32
    %c0_i32_2 = arith.constant 0 : i32
    return %c0_i32, %c0_i32_0, %c0_i32_1 : i32, i32, i32
  }
}

</mosaic_0001>

<sc_bundles>
// kernel: kernel.6.cloned.1.call-start
scs
__scs_entry_jumppad:
0x0: {  	(pc) =	sbr.rel $0x88, $3  }
0x1: {  	(tag) =	ssettag $0x0;
	lr =	simm.s32 $0x1  }
0x2: {  	[smem:$0x3F95] =	sst lr;
	_ =	strace $0xD0000000  }
0x3: {  	_ = 	snop  }
0x4: {  	_ = 	snop  }
0x5: {  	_ = 	snop  }
0x6: {  	_ = 	snop  }
0x7: {  	_ = 	snop  }
__scs_overlays_trampoline_lowered:
0x8: {  	[smem:$0x3FA4] =	sst s0  }
0x9: {  	[smem:$0x3FA5] =	sst s1  }
0xa: {  	[smem:$0x3FA6] =	sst s2  }
0xb: {  	[smem:$0x3FA7] =	sst s3  }
0xc: {  	[smem:$0x3FA8] =	sst s4  }
0xd: {  	[smem:$0x3FA9] =	sst s5  }
0xe: {  	[smem:$0x3FAA] =	sst s6  }
0xf: {  	[smem:$0x3FAB] =	sst s7  }
0x10: {  	[smem:$0x3FAC] =	sst s8  }
0x11: {  	[smem:$0x3FAD] =	sst s9;
	s0 =	simm.s32 @!p0 $0x0  }
0x12: {  	s1 =	sld [smem:$0x3F93];
	s0 =	simm.s32 @p0 $0x1  }
0x13: {  	[smem:$0x3FAE] =	sst s0;
	s0 =	simm.s32 @!p1 $0x0  }
0x14: {  	s2 =	sld [smem:$0x3F92];
	s0 =	simm.s32 @p1 $0x1  }
0x15: {  	[smem:$0x3FAF] =	sst s0;
	s0 =	simm.s32 @!p2 $0x0  }
0x16: {  	s3 =	sld [smem:$0x3FDB];
	s0 =	simm.s32 @p2 $0x1  }
0x17: {  	s4 =	simm.s32 $0x1BF5;
	[smem:$0x3FB1] =	sst s0  }
0x18: {  	s0 =	sld [smem:$0x3F94];
	_ =	swait.ge [sflag:s4], $0x0  }
0x19: {  	s7 =	sld [smem:$0x3F95]  }
0x1a: {  	s8 =	sadd.s32 $0xFFFFE003, lr  }
0x1b: {  	s9 =	sadd.s32 $0xFFFFFEF7, lr;
	s5 =	simm.s32 $0xFFFFFFFF;
	p2 =	slt.u32 s8, $0xFFFFF086  }
0x1c: {  	p1 =	slt.u32 s9, $0xF7A;
	s5 =	simm.s32 @!p2 $0x0  }
0x1d: {  	s5 =	simm.s32 @p1 $0x1;
	p0 =	seq.s32 s7, s2  }
0x1e: {  	s7 =	smul.u32 @!p0 $0xF7A, s2;
	p2 =	seq.s32 @!p0 s5, $0x0  }
0x1f: {  	s9 =	smul.u32 $0xF7A, s1;
	s8 =	simm.s32 @!p0 $0x1BF5;
	p2 =	por !p2, p0  }
0x20: {  	[sflag:s8] =	ssyncset.s32 @!p0 $0xFFFFF086;
	s6 =	sadd.s32 @!p0 s3, s7;
	s7 =	simm.s32 @!p0 $0x108  }
0x21: {  	s3 =	sadd.s32 s3, s9;
	s6 =	sadd.s32 @!p0 $0x88, s6;
	s7 =	simm.s32 @p2 $0x1082  }
0x22: {  	[simem:s7], [sflag:s8] =	dma.local @!p0 [hbm:s6], $0xF7A  }
0x23: {  	s9 =	sor.u32 $0xD0000000, s2;
	s6 =	simm.s32 $0x108;
	_ =	swait.ge @!p0 [sflag:s8], $0x0  }
0x24: {  	s3 =	sadd.s32 $0x88, s3;
	s6 =	simm.s32 @!p1 $0x1082;
	[sflag:s4] =	ssyncset.s32 $0xFFFFF086  }
0x25: {  	[simem:s6], [sflag:s4] =	dma.local [hbm:s3], $0xF7A  }
0x26: {  	[smem:$0x3F95] =	sst s1;
	(tag) =	ssettag s2;
	_ =	strace s9  }
0x27: {  	s1 =	sld [smem:$0x3FA5]  }
0x28: {  	s2 =	sld [smem:$0x3FA6]  }
0x29: {  	s4 =	sld [smem:$0x3FA8]  }
0x2a: {  	p0 =	seq.s32 s5, $0x0;
	s5 =	sld [smem:$0x3FA9]  }
0x2b: {  	s6 =	sld [smem:$0x3FAA]  }
0x2c: {  	s7 =	sld [smem:$0x3FAB]  }
0x2d: {  	s3 =	simm.s32 $0x108;
	s8 =	sld [smem:$0x3FAC]  }
0x2e: {  	s3 =	simm.s32 @!p0 $0x1082;
	s9 =	sld [smem:$0x3FAD]  }
0x2f: {  	lr =	sadd.s32 s0, s3;
	s0 =	sld [smem:$0x3FA4]  }
0x30: {  	s3 =	sld [smem:$0x3FA7]  }
0x31: {  	[smem:$0x3FB0] =	sst s10  }
0x32: {  	s10 =	sld [smem:$0x3FAE];
	_ =	sdelay $0x3  }
0x33: {  	p0 =	seq.s32 s10, $0x1;
	s10 =	sld [smem:$0x3FB0];
	_ =	sdelay $0x3  }
0x34: {  	[smem:$0x3FB0] =	sst s10  }
0x35: {  	s10 =	sld [smem:$0x3FAF];
	_ =	sdelay $0x3  }
0x36: {  	p1 =	seq.s32 s10, $0x1;
	s10 =	sld [smem:$0x3FB0];
	_ =	sdelay $0x3  }
0x37: {  	[smem:$0x3FB0] =	sst s10  }
0x38: {  	s10 =	sld [smem:$0x3FB1]  }
0x39: {  	_ = 	snop;
	(pc) =	sbr.ind lr, $3  }
0x3a: {  	_ = 	snop  }
0x3b: {  	_ = 	snop  }
0x3c: {  	p2 =	seq.s32 s10, $0x1;
	s10 =	sld [smem:$0x3FB0]  }
0x3d: {  	_ =	shalt  }
0x3e: {  	_ =	shalt  }
0x3f: {  	_ =	shalt  }
0x40: {  	_ =	shalt  }
0x41: {  	_ =	shalt  }
0x42: {  	_ =	shalt  }
0x43: {  	_ =	shalt  }
0x44: {  	_ =	shalt  }
0x45: {  	_ =	shalt  }
0x46: {  	_ =	shalt  }
0x47: {  	_ =	shalt  }
0x48: {  	_ =	shalt  }
0x49: {  	_ =	shalt  }
0x4a: {  	_ =	shalt  }
0x4b: {  	_ =	shalt  }
0x4c: {  	_ =	shalt  }
0x4d: {  	_ =	shalt  }
0x4e: {  	_ =	shalt  }
0x4f: {  	_ =	shalt  }
0x50: {  	_ =	shalt  }
0x51: {  	_ =	shalt  }
0x52: {  	_ =	shalt  }
0x53: {  	_ =	shalt  }
0x54: {  	_ =	shalt  }
0x55: {  	_ =	shalt  }
0x56: {  	_ =	shalt  }
0x57: {  	_ =	shalt  }
0x58: {  	_ =	shalt  }
0x59: {  	_ =	shalt  }
0x5a: {  	_ =	shalt  }
0x5b: {  	_ =	shalt  }
0x5c: {  	_ =	shalt  }
0x5d: {  	_ =	shalt  }
0x5e: {  	_ =	shalt  }
0x5f: {  	_ =	shalt  }
0x60: {  	_ =	shalt  }
0x61: {  	_ =	shalt  }
0x62: {  	_ =	shalt  }
0x63: {  	_ =	shalt  }
0x64: {  	_ =	shalt  }
0x65: {  	_ =	shalt  }
0x66: {  	_ =	shalt  }
0x67: {  	_ =	shalt  }
0x68: {  	_ =	shalt  }
0x69: {  	_ =	shalt  }
0x6a: {  	_ =	shalt  }
0x6b: {  	_ =	shalt  }
0x6c: {  	_ =	shalt  }
0x6d: {  	_ =	shalt  }
0x6e: {  	_ =	shalt  }
0x6f: {  	_ =	shalt  }
0x70: {  	_ =	shalt  }
0x71: {  	_ =	shalt  }
0x72: {  	_ =	shalt  }
0x73: {  	_ =	shalt  }
0x74: {  	_ =	shalt  }
0x75: {  	_ =	shalt  }
0x76: {  	_ =	shalt  }
0x77: {  	_ =	shalt  }
0x78: {  	_ =	shalt  }
0x79: {  	_ =	shalt  }
0x7a: {  	_ =	shalt  }
0x7b: {  	_ =	shalt  }
0x7c: {  	_ =	shalt  }
0x7d: {  	_ =	shalt  }
0x7e: {  	_ =	shalt  }
0x7f: {  	_ =	shalt  }
0x80: {  	_ =	shalt  }
0x81: {  	_ =	shalt  }
0x82: {  	_ =	shalt  }
0x83: {  	_ =	shalt  }
0x84: {  	_ =	shalt  }
0x85: {  	_ =	shalt  }
0x86: {  	_ =	shalt  }
0x87: {  	_ =	shalt  }
.Lfunc_end0:
.L_simem_size_0:
called_computation_lowered:
.L_overlay_start_0:
0x88: {  	s0 =	sld [smem:$0x3FD9]  }
0x89: {  	s1 =	sld [smem:$0x3FFE];
	_ =	sdelay $0x3  }
0x8a: {  	s0 =	sadd.s32 s1, s0  }
0x8b: {  	[smem:$0x3FBC] =	sst s0  }
0x8c: {  	_ = 	snop  }
0x8d: {  	s0 =	sld [smem:$0x3FD0];
	(tm) =	ssettm $0x1  }
0x8e: {  	s16 =	sld [smem:$0x3FFB];
	_ =	sdelay $0x3  }
0x8f: {  	_ =	strace s16  }
0x90: {  	s1 =	sld [smem:$0x3FFC];
	_ =	sdelay $0x3  }
0x91: {  	_ =	strace s1  }
0x92: {  	s1 =	sld [smem:$0x3FFD];
	_ =	sdelay $0x3  }
0x93: {  	_ =	strace s1  }
0x94: {  	_ =	strace $0x8FFFFFFF  }
0x95: {  	s17 =	sld [smem:$0x3FDB];
	_ =	sdelay $0x1  }
0x96: {  	s2 =	simm.s32 $_scs_section_size  }
0x97: {  	s3 =	simm.s32 $_size__tile_overlayer_lowered;
	s4 =	simm.s32 $_tile_overlayer_lowered  }
0x98: {  	s20 =	simm.s32 $0x1BFF;
	s19 =	sshll.u32 s4, $0x1;
	s1 =	sadd.s32 s2, s17  }
0x99: {  	s5 =	simm.s32 $0x0;
	s18 =	sshll.u32 s3, $0x1;
	s3 =	sadd.s32 s19, s1  }
0x9a: {  	[timem:s5], [sflag:s20] =	dma.local [hbm:s3], s18  }
0x9b: {  	_ =	swait.ge [sflag:s20], s18  }
0x9c: {  	s2 =	ssub.s32 $0x0, s18;
	[sflag:s20] =	ssyncset.done $0x0  }
0x9d: {  	[sflag:s20] =	ssyncadd.s32 s2;
	_ =	sdelay $0x1  }
0x9e: {  	s21 =	simm.s32 $0x1B8B  }
0x9f: {  	_ =	swait.ge [sflag:s21], $0x1  }
0xa0: {  	[sflag:s21] =	ssyncset.done $0x0  }
0xa1: {  	s23 =	simm.s32 $0x1B8E;
	s22 =	sld [smem:$0x3FFE];
	[sflag:s21] =	ssyncadd.s32 $0xFFFFFFFF  }
0xa2: {  	s24 =	simm.s32 $execute0_lowered;
	[smem:$0x3FD2] =	sst s23  }
0xa3: {  	s3 =	sshll.u32 s24, $0x1;
	_ =	strace $0x80000046;
	[dreg:$0x1] =	wrdreg $0xFFFFFFFF  }
0xa4: {  	s25 =	simm.s32 $_size_execute0_lowered;
	s1 =	sadd.s32 s1, s3;
	[dreg:$0x0] =	wrdreg $0x0  }
0xa5: {  	s3 =	sshll.u32 s25, $0x1;
	[dreg:$0x2] =	wrdreg s1  }
0xa6: {  	[dreg:$0x3] =	wrdreg s3  }
0xa7: {  	[dreg:$0x4] =	wrdreg $0xC0  }
0xa8: {  	_ =	task [dreg:s5], $0x5FFFF  }
0xa9: {  	[dreg:$0x1] =	wrdreg $0xFFFFFFFF  }
0xaa: {  	[dreg:$0x0] =	wrdreg $0x60  }
0xab: {  	[dreg:$0x2] =	wrdreg s22  }
0xac: {  	[dreg:$0x3] =	wrdreg s0  }
0xad: {  	[dreg:$0x4] =	wrdreg $0x6A000  }
0xae: {  	[dreg:$0x5] =	wrdreg $0x9  }
0xaf: {  	_ =	task.clear_ibuf [dreg:s5], $0x6FFFF;
	_ =	strace $0x90000046  }
0xb0: {  	s26 =	simm.s32 $0x9;
	_ =	strace $0x80000048  }
0xb1: {  	_ =	swait.ge [sflag:s26], $0x1  }
0xb2: {  	[sflag:s26] =	ssyncadd.s32 $0xFFFFFFFF  }
0xb3: {  	_ =	strace $0x90000048  }
0xb4: {  	_ =	sfence  }
0xb5: {  	s28 =	sld [smem:$0x0];
	_ =	sdelay $0x1  }
0xb6: {  	s29 =	srdreg.scid  }
0xb7: {  	s30 =	sshll.u32 s29, $0xD;
	s31 =	sshrl.u32 s29, $0x2  }
0xb8: {  	s2 =	sand.u32 $0x4000, s30;
	s1 =	sand.u32 $0x1, s29;
	s0 =	sadd.s32 s31, s28  }
0xb9: {  	s1 =	sor.u32 s2, s1;
	s0 =	sshll.u32 s0, $0x11  }
0xba: {  	s0 =	sor.u32 s0, s1  }
0xbb: {  	s0 =	sadd.s32 $0x8F2B, s0  }
0xbc: {  	[sflag:s0] =	ssyncadd.remote.s32 $0x1  }
0xbd: {  	_ =	sfence.sel $0xFFFF  }
0xbe: {  	[dreg:$0x0] =	wrdreg $0xFFFFFFFF;
	(pc) =	sbr.abs _section_cstart, $3  }
0xbf: {  	[dreg:$0x1] =	wrdreg $0xFFFFFFFF  }
0xc0: {  	_ =	task.clear_ibuf [dreg:s5], $0x2FFFF;
	_ =	strace $0x9FFFFFFF  }
0xc1: {  	(tm) =	ssettm $0x7FFFFFFF  }
tec
execute0_lowered:
.L_overlay_start_1:
0x0: {  	(tag) =	ssettag $0x1  }
0x1: {  	s0 =	rddreg [dreg:$0x0]  }
0x2: {  	s1 =	rddreg [dreg:$0x1];
	s6 =	stileid.u32  }
0x3: {  	s2 =	rddreg [dreg:$0x2];
	s3 =	simm.s32 $0x0;
	s26 =	simm.s32 $0x500  }
0x4: {  	s8 =	simm.s32 $0x1A00;
	s9 =	simm.s32 $0x80;
	s10 =	simm.s32 $0xA00  }
0x5: {  	s11 =	simm.s32 $0x1200;
	s12 =	simm.s32 $0xA80;
	s13 =	simm.s32 $0x1280  }
0x6: {  	s14 =	simm.s32 $0xB00;
	s15 =	simm.s32 $0x1300;
	s5 =	smul.u32 $0xA0, s6  }
0x7: {  	s16 =	simm.s32 $0xB80;
	s17 =	simm.s32 $0x1380;
	s18 =	simm.s32 $0xC00  }
0x8: {  	s19 =	simm.s32 $0x1400;
	[smem:$0x7FF] =	sst s3;
	s4 =	sadd.s32 s5, s0  }
0x9: {  	s20 =	simm.s32 $0xC80;
	_ =	strace $0x80000047;
	s4 =	sadd.s32 $0x2800, s4  }
0xa: {  	[tilespmem:s3], [sflag:$0x1] =	stream.linear.gather [hbm4b:s4+s3], $0x500, $0x38;
	[tilespmem:$0xBA08] =	vst v63  }
0xb: {  	s21 =	simm.s32 $0x1480;
	s22 =	simm.s32 $0xD00;
	s4 =	simm.s32 $0x1  }
0xc: {  	s23 =	simm.s32 $0x1500;
	s24 =	simm.s32 $0xD80;
	_ =	swait.ge [sflag:s4], $0x500  }
0xd: {  	s25 =	simm.s32 $0x1580;
	s28 =	simm.s32 $0x1600;
	[sflag:s4] =	ssyncset.done $0x0  }
0xe: {  	s29 =	simm.s32 $0xE80;
	s1 =	sadd.s32 s1, s5;
	[sflag:s4] =	ssyncadd.s32 $0xFFFFFB00  }
0xf: {  	[tilespmem:s26], [sflag:$0x1] =	stream.linear.gather [hbm4b:s1+s3], $0x500, $0x38;
	[tilespmem:$0xBA08] =	vst v63  }
0x10: {  	s30 =	simm.s32 $0x1680;
	s5 =	smul.u32 $0x5000, s6;
	_ =	swait.ge [sflag:s4], $0x500  }
0x11: {  	s31 =	simm.s32 $0x0;
	s6 =	sadd.s32 $0x3200, s0;
	[sflag:s4] =	ssyncset.done $0x0  }
0x12: {  	v0 =	vimm.f32 $0.0e+00;
	s7 =	sadd.s32 s5, s2;
	s26 =	simm.s32 $0xE00;
	[sflag:s4] =	ssyncadd.s32 $0xFFFFFB00  }
.LBB2_1:
0x13: {  	s0 =	simm.s32 $0x40;
	s1 =	simm.s32 $0x0  }
.LBB2_2:
0x14: {  	p0 =	sne.s32 s0, $0x13FC0;
	[tilespmem:s1+$0x1A00] =	vst v0;
	s1 =	smov.u32 s0;
	s0 =	sadd.s32 $0x40, s0  }
.Ltmp0:
0x15: {  	(pc) =	sbr.rel @p0 .LBB2_2-.Ltmp0, $2  }
0x16: {  	_ =	sdelay $0x2  }
0x17: {  	s1 =	sshra.s32 s1, $0x2  }
0x18: {  	[tilespmem:s1+$0x1A00] =	vst v0  }
0x19: {  	[spmem:s7] =	stream.linear.scatter [tilespmem:s8], [sflag:$0x1], $0x5000, $0x38;
	[tilespmem:$0xBA08] =	vst v63  }
0x1a: {  	_ =	swait.ge [sflag:s4], $0x5000  }
0x1b: {  	[sflag:s4] =	ssyncset.done $0x0  }
0x1c: {  	[sflag:s4] =	ssyncadd.s32 $0xFFFFB000  }
0x1d: {  	v2 =	vld [tilespmem:$0x0]  }
0x1e: {  	v3 =	vld [tilespmem:$0x500]  }
0x1f: {  	v4 =	vld [tilespmem:$0x10]  }
0x20: {  	v6 =	vld [tilespmem:$0x510]  }
0x21: {  	v7 =	vld [tilespmem:$0x20]  }
0x22: {  	v8 =	vld [tilespmem:$0x520]  }
0x23: {  	v10 =	vld [tilespmem:$0x30]  }
0x24: {  	v11 =	vld [tilespmem:$0x530]  }
0x25: {  	v12 =	vld [tilespmem:$0x40]  }
0x26: {  	v14 =	vld [tilespmem:$0x50]  }
0x27: {  	v16 =	vld [tilespmem:$0x60]  }
0x28: {  	s0 =	sshll.u32 s31, $0x8;
	v17 =	vld [tilespmem:$0x70]  }
0x29: {  	v5 =	vmov s0;
	v32 =	vld [tilespmem:$0xB0]  }
0x2a: {  	s1 =	sadd.s32 $0x100, s0;
	v38 =	vld [tilespmem:$0xE0];
	v1 =	vsub.s32 v2, v5;
	vm0 =	vge.s32 v2, s0  }
0x2b: {  	v44 =	vld [tilespmem:$0x110];
	vm1 =	vlt.s32 v2, s1;
	vm9 =	vne.s32 v2, v3;
	vm10 =	vge.s32 v4, s0  }
0x2c: {  	v56 =	vld [tilespmem:$0x160];
	vm11 =	vlt.s32 v4, s1;
	vm12 =	vne.s32 v4, v6;
	vm13 =	vge.s32 v7, s0  }
0x2d: {  	vm2 =	vlt.s32 v7, s1;
	vm14 =	vne.s32 v7, v8;
	v21 =	vsub.s32 v10, v5  }
0x2e: {  	vm15 =	vge.s32 v10, s0;
	vm3 =	vlt.s32 v10, s1;
	vm7 =	vne.s32 v10, v11  }
0x2f: {  	v22 =	vsub.s32 v12, v5;
	vm8 =	vge.s32 v12, s0;
	v23 =	vsub.s32 v14, v5  }
0x30: {  	v26 =	vsub.s32 v16, v5;
	v27 =	vsub.s32 v17, v5;
	v35 =	vsub.s32 v32, v5  }
0x31: {  	v13 =	vld [tilespmem:$0x540];
	v41 =	vsub.s32 v38, v5;
	v47 =	vsub.s32 v44, v5;
	v62 =	vsub.s32 v56, v5  }
0x32: {  	v1 =	vmul.u32 $0x500, v1;
	vm0 =	vmand vm0, vm1;
	vm6 =	vmand vm15, vm3  }
0x33: {  	v15 =	vld [tilespmem:$0x550];
	v10 =	vmul.u32 $0x500, v22;
	v25 =	vmul.u32 $0x500, v23;
	vm15 =	vlt.s32 v16, s1  }
0x34: {  	v28 =	vmul.u32 $0x500, v27;
	v63 =	vmul.u32 $0x500, v62;
	vm1 =	vmand vm0, vm9  }
0x35: {  	v23 =	vld [tilespmem:$0xA0];
	vm9 =	vlt.s32 v12, s1;
	v2 =	vadd.s32 v3, v1;
	v1 =	vsub.s32 v4, v5  }
0x36: {  	v10 =	vadd.s32 v13, v10;
	v3 =	vnsel vm0, $0x50000, v2;
	v1 =	vmul.u32 $0x500, v1  }
0x37: {  	v2 =	vsel vm1, $0x3F800000, v0;
	vm0 =	vmand vm10, vm11;
	vm10 =	vne.s32 v12, v13  }
0x38: {  	vm11 =	vge.s32 v14, s0;
	v12 =	vadd.s32 v15, v25;
	vm1 =	vmand vm0, vm12  }
0x39: {  	v24 =	vld [tilespmem:$0x560];
	vm12 =	vlt.s32 v14, s1;
	v19 =	vadd.s32 v6, v1;
	v4 =	vsel vm1, $0x3F800000, v0  }
0x3a: {  	v33 =	vsub.s32 v23, v5;
	v1 =	vnsel vm0, $0x50000, v19;
	vm0 =	vmand vm13, vm2  }
0x3b: {  	vm13 =	vne.s32 v14, v15;
	v14 =	vmul.u32 $0x500, v26;
	v34 =	vmul.u32 $0x500, v33  }
0x3c: {  	v18 =	vld [tilespmem:$0x570];
	[tilespmem:$0x1FFE0] =	vst v1;
	v1 =	vsub.s32 v7, v5;
	vm1 =	vmand vm0, vm14;
	v7 =	vmul.u32 $0x500, v21  }
0x3d: {  	v19 =	vld [tilespmem:$0x80];
	vm14 =	vge.s32 v16, s0;
	v20 =	vmul.u32 $0x500, v1;
	v1 =	vsel vm1, $0x3F800000, v0  }
0x3e: {  	v26 =	vld [tilespmem:$0xC0];
	vm1 =	vmand vm6, vm7;
	vm7 =	vne.s32 v16, v24;
	v7 =	vadd.s32 v11, v7  }
0x3f: {  	v13 =	vadd.s32 v24, v14;
	v6 =	vadd.s32 v8, v20;
	v8 =	vnsel vm6, $0x50000, v7  }
0x40: {  	v7 =	vsel vm1, $0x3F800000, v0;
	vm6 =	vmand vm14, vm15;
	v9 =	vnsel vm0, $0x50000, v6  }
0x41: {  	v29 =	vld [tilespmem:$0x580];
	vm0 =	vmand vm8, vm9;
	v6 =	vnsel vm6, $0x50000, v13;
	vm8 =	vge.s32 v17, s0  }
0x42: {  	v24 =	vld [tilespmem:$0x5A0];
	vm9 =	vlt.s32 v17, s1;
	v13 =	vadd.s32 v18, v28;
	v30 =	vsub.s32 v19, v5  }
0x43: {  	v37 =	vsub.s32 v26, v5;
	vm1 =	vmand vm0, vm10;
	v10 =	vnsel vm0, $0x50000, v10  }
0x44: {  	vm0 =	vmand vm11, vm12;
	vm10 =	vne.s32 v17, v18;
	vm11 =	vge.s32 v19, s0  }
0x45: {  	v20 =	vld [tilespmem:$0x90];
	vm12 =	vlt.s32 v19, s1;
	v11 =	vsel vm1, $0x3F800000, v0;
	vm1 =	vmand vm0, vm13  }
0x46: {  	v22 =	vld [tilespmem:$0x590];
	v15 =	vnsel vm0, $0x50000, v12;
	vm0 =	vmand vm8, vm9;
	vm13 =	vne.s32 v19, v29  }
0x47: {  	v25 =	vld [tilespmem:$0x5B0];
	vm8 =	vlt.s32 v23, s1;
	vm9 =	vne.s32 v23, v24;
	v12 =	vsel vm1, $0x3F800000, v0  }
0x48: {  	[tilespmem:$0x1FFD0] =	vst v2;
	vm1 =	vmand vm6, vm7;
	v61 =	vnsel vm0, $0x50000, v13;
	v13 =	vmul.u32 $0x500, v30  }
0x49: {  	[tilespmem:$0x1FFF0] =	vst v1;
	v1 =	vld [tilespmem:$0x1FFD0];
	vm7 =	vge.s32 v23, s0;
	v59 =	vsel vm1, $0x3F800000, v0;
	vm1 =	vmand vm0, vm10  }
0x4a: {  	v28 =	vld [tilespmem:$0x5C0];
	vm0 =	vmand vm11, vm12;
	v31 =	vsub.s32 v20, v5;
	vm14 =	vge.s32 v20, s0  }
0x4b: {  	vm15 =	vlt.s32 v20, s1;
	vm6 =	vne.s32 v20, v22;
	vm10 =	vge.s32 v32, s0  }
0x4c: {  	vm11 =	vlt.s32 v32, s1;
	vm12 =	vne.s32 v32, v25;
	v17 =	vsel vm1, $0x3F800000, v0  }
0x4d: {  	v30 =	vld [tilespmem:$0x5D0];
	vm1 =	vmand vm0, vm13;
	v13 =	vadd.s32 v29, v13;
	v16 =	vmul.u32 $0x500, v31  }
0x4e: {  	[tilespmem:$0x1200] =	vst v1;
	v1 =	vld [tilespmem:$0x240];
	vm5 =	vmand vm14, vm15;
	vm13 =	vge.s32 v26, s0;
	vm14 =	vlt.s32 v26, s1  }
0x4f: {  	v32 =	vld [tilespmem:$0xF0];
	vm4 =	vne.s32 v26, v28;
	v21 =	vnsel vm0, $0x50000, v13;
	v18 =	vsel vm1, $0x3F800000, v0  }
0x50: {  	[tilespmem:$0x1250] =	vst v12;
	v12 =	vld [tilespmem:$0x270];
	vm1 =	vmand vm5, vm6;
	vm0 =	vmand vm7, vm8;
	vm15 =	vmand vm13, vm14  }
0x51: {  	v29 =	vld [tilespmem:$0xD0];
	vm8 =	vge.s32 v38, s0;
	v16 =	vadd.s32 v22, v16;
	v19 =	vsel vm1, $0x3F800000, v0  }
0x52: {  	v31 =	vld [tilespmem:$0x5E0];
	vm1 =	vmand vm0, vm9;
	vm9 =	vlt.s32 v38, s1;
	v20 =	vnsel vm5, $0x50000, v16  }
0x53: {  	[tilespmem:$0xA30] =	vst v8;
	v16 =	vadd.s32 v24, v34;
	v23 =	vsel vm1, $0x3F800000, v0;
	v8 =	vsub.s32 v1, v5  }
0x54: {  	v22 =	vnsel vm0, $0x50000, v16;
	v16 =	vmul.u32 $0x500, v35;
	vm0 =	vmand vm10, vm11  }
0x55: {  	[tilespmem:$0x1280] =	vst v18;
	v43 =	vsub.s32 v32, v5;
	vm11 =	vge.s32 v32, s0;
	v18 =	vsub.s32 v12, v5  }
0x56: {  	vm1 =	vmand vm0, vm12;
	v39 =	vsub.s32 v29, v5;
	vm5 =	vge.s32 v29, s0  }
0x57: {  	v34 =	vld [tilespmem:$0x5F0];
	vm6 =	vlt.s32 v29, s1;
	vm7 =	vne.s32 v29, v30;
	vm10 =	vne.s32 v38, v31  }
0x58: {  	v48 =	vld [tilespmem:$0x620];
	vm12 =	vlt.s32 v32, s1;
	v36 =	vadd.s32 v25, v16;
	v16 =	vmul.u32 $0x500, v37  }
0x59: {  	v35 =	vld [tilespmem:$0x100];
	v24 =	vsel vm1, $0x3F800000, v0;
	vm1 =	vmand vm15, vm4;
	v40 =	vmul.u32 $0x500, v39  }
0x5a: {  	[tilespmem:$0x1270] =	vst v17;
	v17 =	vld [tilespmem:$0x2A0];
	vm13 =	vmand vm11, vm12;
	v27 =	vnsel vm0, $0x50000, v36;
	v25 =	vsel vm1, $0x3F800000, v0  }
0x5b: {  	v38 =	vld [tilespmem:$0x120];
	vm0 =	vmand vm5, vm6;
	vm6 =	vge.s32 v44, s0;
	v16 =	vadd.s32 v28, v16  }
0x5c: {  	[tilespmem:$0xAA0] =	vst v22;
	v22 =	vld [tilespmem:$0x290];
	vm1 =	vmand vm0, vm7;
	vm14 =	vne.s32 v32, v34;
	vm7 =	vlt.s32 v44, s1  }
0x5d: {  	v37 =	vld [tilespmem:$0x610];
	v26 =	vnsel vm15, $0x50000, v16;
	v16 =	vadd.s32 v30, v40;
	v29 =	vsel vm1, $0x3F800000, v0  }
0x5e: {  	v45 =	vsub.s32 v35, v5;
	vm15 =	vge.s32 v35, s0;
	vm4 =	vlt.s32 v35, s1  }
0x5f: {  	[tilespmem:$0x12A0] =	vst v23;
	v36 =	vld [tilespmem:$0x600];
	v28 =	vnsel vm0, $0x50000, v16;
	v16 =	vmul.u32 $0x500, v41;
	vm0 =	vmand vm8, vm9  }
0x60: {  	[tilespmem:$0x12C0] =	vst v25;
	v46 =	vmul.u32 $0x500, v45;
	v50 =	vsub.s32 v38, v5;
	vm9 =	vge.s32 v38, s0  }
0x61: {  	v25 =	vld [tilespmem:$0x2B0];
	vm12 =	vne.s32 v38, v48;
	[tilespmem:$0xAC0] =	vst v26;
	v23 =	vsub.s32 v22, v5;
	v26 =	vsub.s32 v17, v5  }
0x62: {  	v40 =	vld [tilespmem:$0x130];
	vm1 =	vmand vm0, vm10;
	vm8 =	vne.s32 v44, v37;
	vm10 =	vlt.s32 v38, s1  }
0x63: {  	[tilespmem:$0xA40] =	vst v10;
	v10 =	vmul.u32 $0x500, v26;
	v42 =	vadd.s32 v31, v16;
	v16 =	vmul.u32 $0x500, v43  }
0x64: {  	v41 =	vld [tilespmem:$0x630];
	v30 =	vsel vm1, $0x3F800000, v0;
	vm1 =	vmand vm13, vm14;
	vm5 =	vne.s32 v35, v36  }
0x65: {  	v45 =	vld [tilespmem:$0x660];
	vm11 =	vmand vm9, vm10;
	v33 =	vnsel vm0, $0x50000, v42;
	v31 =	vsel vm1, $0x3F800000, v0  }
0x66: {  	v57 =	vld [tilespmem:$0x170];
	vm0 =	vmand vm15, vm4;
	[tilespmem:$0x12E0] =	vst v30;
	v30 =	vsub.s32 v25, v5;
	v16 =	vadd.s32 v34, v16  }
0x67: {  	v43 =	vld [tilespmem:$0x150];
	vm1 =	vmand vm0, vm5;
	v52 =	vsub.s32 v40, v5;
	vm14 =	vge.s32 v40, s0  }
0x68: {  	v44 =	vld [tilespmem:$0x650];
	vm15 =	vlt.s32 v40, s1;
	v32 =	vnsel vm13, $0x50000, v16;
	v16 =	vadd.s32 v36, v46  }
0x69: {  	v35 =	vsel vm1, $0x3F800000, v0;
	vm13 =	vmand vm11, vm12;
	vm4 =	vne.s32 v40, v41  }
0x6a: {  	v42 =	vld [tilespmem:$0x140];
	vm12 =	vne.s32 v56, v45;
	v34 =	vnsel vm0, $0x50000, v16;
	v16 =	vmul.u32 $0x500, v47  }
0x6b: {  	v53 =	vld [tilespmem:$0x640];
	vm0 =	vmand vm6, vm7;
	v14 =	vsel vm13, $0x3F800000, v0;
	v47 =	vsub.s32 v57, v5  }
0x6c: {  	vm13 =	vge.s32 v57, s0;
	vm1 =	vmand vm0, vm8;
	vm8 =	vge.s32 v43, s0  }
0x6d: {  	v60 =	vld [tilespmem:$0x670];
	vm9 =	vlt.s32 v43, s1;
	v46 =	vsub.s32 v43, v5;
	vm10 =	vne.s32 v43, v44  }
0x6e: {  	v49 =	vadd.s32 v37, v16;
	v16 =	vmul.u32 $0x500, v50;
	v38 =	vsel vm1, $0x3F800000, v0  }
0x6f: {  	v54 =	vsub.s32 v42, v5;
	vm5 =	vge.s32 v42, s0;
	vm6 =	vlt.s32 v42, s1  }
0x70: {  	vm7 =	vne.s32 v42, v53;
	v58 =	vmul.u32 $0x500, v46;
	v39 =	vnsel vm0, $0x50000, v49  }
0x71: {  	vm0 =	vmand vm14, vm15;
	v55 =	vmul.u32 $0x500, v54;
	vm14 =	vlt.s32 v57, s1  }
0x72: {  	vm15 =	vne.s32 v57, v60;
	v51 =	vadd.s32 v48, v16;
	v16 =	vmul.u32 $0x500, v52  }
0x73: {  	vm1 =	vmand vm0, vm4;
	vm4 =	vlt.s32 v56, s1;
	v43 =	vadd.s32 v44, v58  }
0x74: {  	v54 =	vld [tilespmem:$0x190];
	v52 =	vmul.u32 $0x500, v47;
	v37 =	vnsel vm11, $0x50000, v51;
	v36 =	vadd.s32 v53, v55  }
0x75: {  	[tilespmem:$0x1320] =	vst v14;
	v14 =	vld [tilespmem:$0x2E0];
	v42 =	vsel vm1, $0x3F800000, v0;
	vm11 =	vge.s32 v56, s0;
	v16 =	vadd.s32 v41, v16  }
0x76: {  	v48 =	vld [tilespmem:$0x180];
	vm2 =	vmand vm11, vm4;
	v13 =	vnsel vm0, $0x50000, v16;
	vm0 =	vmand vm5, vm6  }
0x77: {  	v49 =	vld [tilespmem:$0x690];
	v55 =	vadd.s32 v60, v52;
	v16 =	vadd.s32 v45, v63;
	vm1 =	vmand vm0, vm7  }
0x78: {  	v58 =	vld [tilespmem:$0x6A0];
	v41 =	vnsel vm0, $0x50000, v36;
	vm0 =	vmand vm8, vm9;
	vm9 =	vmand vm2, vm12  }
0x79: {  	v53 =	vld [tilespmem:$0x680];
	v46 =	vnsel vm2, $0x50000, v16;
	vm12 =	vge.s32 v54, s0;
	v60 =	vsub.s32 v54, v5  }
0x7a: {  	v56 =	vld [tilespmem:$0x1A0];
	vm3 =	vmand vm0, vm10;
	v44 =	vnsel vm0, $0x50000, v43;
	vm0 =	vmand vm13, vm14  }
0x7b: {  	v51 =	vld [tilespmem:$0x1B0];
	vm8 =	vge.s32 v48, s0;
	vm10 =	vlt.s32 v48, s1;
	v57 =	vsub.s32 v48, v5  }
0x7c: {  	v40 =	vld [tilespmem:$0x6B0];
	vm13 =	vlt.s32 v54, s1;
	vm14 =	vne.s32 v54, v49;
	v62 =	vmul.u32 $0x500, v60  }
0x7d: {  	[tilespmem:$0xB40] =	vst v41;
	v41 =	vsub.s32 v14, v5;
	vm7 =	vmand vm0, vm15;
	v43 =	vnsel vm0, $0x50000, v55  }
0x7e: {  	v52 =	vld [tilespmem:$0x1C0];
	vm0 =	vmand vm8, vm10;
	vm11 =	vne.s32 v48, v53;
	v36 =	vmul.u32 $0x500, v57  }
0x7f: {  	vm2 =	vmand vm12, vm13;
	v50 =	vsub.s32 v56, v5;
	vm15 =	vge.s32 v56, s0  }
0x80: {  	vm5 =	vlt.s32 v56, s1;
	vm8 =	vne.s32 v56, v58;
	vm10 =	vge.s32 v51, s0  }
0x81: {  	v57 =	vsub.s32 v51, v5;
	vm12 =	vne.s32 v51, v40;
	vm6 =	vmand vm0, vm11  }
0x82: {  	v16 =	vld [tilespmem:$0x1D0];
	v63 =	vmul.u32 $0x500, v50;
	v45 =	vadd.s32 v49, v62;
	vm4 =	vmand vm15, vm5  }
0x83: {  	vm11 =	vlt.s32 v51, s1;
	v48 =	vmul.u32 $0x500, v57;
	v60 =	vsub.s32 v52, v5  }
0x84: {  	v54 =	vld [tilespmem:$0x1E0];
	v36 =	vadd.s32 v53, v36;
	v49 =	vnsel vm2, $0x50000, v45;
	vm5 =	vmand vm10, vm11  }
0x85: {  	vm10 =	vlt.s32 v52, s1;
	v62 =	vmul.u32 $0x500, v60;
	v47 =	vnsel vm0, $0x50000, v36;
	v36 =	vld [tilespmem:$0x6C0]  }
0x86: {  	vm0 =	vmand vm2, vm14;
	v56 =	vadd.s32 v58, v63;
	vm2 =	vmand vm4, vm8;
	v58 =	vld [tilespmem:$0x6D0]  }
0x87: {  	vm8 =	vge.s32 v52, s0;
	v48 =	vadd.s32 v40, v48;
	v53 =	vsub.s32 v16, v5;
	v40 =	vld [tilespmem:$0x6E0]  }
0x88: {  	v55 =	vld [tilespmem:$0x1F0];
	vm14 =	vge.s32 v16, s0;
	vm11 =	vlt.s32 v16, s1;
	v45 =	vnsel vm4, $0x50000, v56  }
0x89: {  	vm4 =	vmand vm5, vm12;
	vm8 =	vmand vm8, vm10;
	v50 =	vnsel vm5, $0x50000, v48  }
0x8a: {  	v63 =	vmul.u32 $0x500, v53;
	vm11 =	vmand vm14, vm11;
	vm12 =	vge.s32 v54, s0  }
0x8b: {  	vm13 =	vne.s32 v52, v36;
	v36 =	vadd.s32 v36, v62;
	vm15 =	vne.s32 v16, v58  }
0x8c: {  	v57 =	vadd.s32 v58, v63;
	v58 =	vsub.s32 v54, v5;
	vm14 =	vne.s32 v54, v40  }
0x8d: {  	v51 =	vld [tilespmem:$0x6F0];
	v62 =	vsub.s32 v55, v5;
	vm5 =	vmand vm8, vm13;
	v52 =	vnsel vm8, $0x50000, v36  }
0x8e: {  	vm10 =	vmand vm11, vm15;
	v48 =	vnsel vm11, $0x50000, v57;
	vm13 =	vlt.s32 v54, s1  }
0x8f: {  	v16 =	vld [tilespmem:$0x200];
	v36 =	vmul.u32 $0x500, v58;
	v63 =	vmul.u32 $0x500, v62;
	vm11 =	vmand vm12, vm13  }
0x90: {  	[tilespmem:$0x1260] =	vst v59;
	v60 =	vld [tilespmem:$0x700];
	vm12 =	vge.s32 v55, s0;
	vm13 =	vlt.s32 v55, s1;
	v59 =	vsel vm10, $0x3F800000, v0  }
0x91: {  	v57 =	vld [tilespmem:$0x210];
	vm8 =	vmand vm11, vm14;
	v36 =	vadd.s32 v40, v36;
	vm13 =	vmand vm12, vm13  }
0x92: {  	v62 =	vld [tilespmem:$0x220];
	vm12 =	vne.s32 v55, v51;
	v51 =	vadd.s32 v51, v63;
	v55 =	vsel vm9, $0x3F800000, v0  }
0x93: {  	[tilespmem:$0xBD0] =	vst v48;
	v48 =	vld [tilespmem:$0x370];
	v53 =	vnsel vm11, $0x50000, v36;
	vm12 =	vmand vm13, vm12;
	v54 =	vnsel vm13, $0x50000, v51  }
0x94: {  	[tilespmem:$0xA70] =	vst v61;
	v61 =	vsel vm8, $0x3F800000, v0;
	vm8 =	vlt.s32 v14, s1;
	v56 =	vsub.s32 v16, v5  }
0x95: {  	vm11 =	vge.s32 v16, s0;
	vm14 =	vlt.s32 v16, s1;
	vm15 =	vne.s32 v16, v60  }
0x96: {  	[tilespmem:$0x1290] =	vst v19;
	v19 =	vsel vm12, $0x3F800000, v0;
	v40 =	vmul.u32 $0x500, v56;
	vm14 =	vmand vm11, vm14  }
0x97: {  	v16 =	vld [tilespmem:$0x230];
	vm13 =	vge.s32 v57, s0;
	v36 =	vsub.s32 v57, v5;
	vm9 =	vlt.s32 v62, s1  }
0x98: {  	[tilespmem:$0xBF0] =	vst v54;
	v56 =	vld [tilespmem:$0x710];
	vm11 =	vmand vm14, vm15;
	v54 =	vsub.s32 v48, v5;
	v58 =	vadd.s32 v60, v40  }
0x99: {  	v60 =	vsel vm1, $0x3F800000, v0;
	v40 =	vmul.u32 $0x500, v36;
	v36 =	vsub.s32 v62, v5  }
0x9a: {  	[tilespmem:$0xAB0] =	vst v27;
	v63 =	vld [tilespmem:$0x720];
	v27 =	vsel vm11, $0x3F800000, v0;
	vm11 =	vge.s32 v25, s0;
	v51 =	vnsel vm14, $0x50000, v58  }
0x9b: {  	v2 =	vld [tilespmem:$0x730];
	vm14 =	vlt.s32 v57, s1;
	v58 =	vsel vm3, $0x3F800000, v0;
	vm3 =	vge.s32 v62, s0  }
0x9c: {  	[tilespmem:$0xA20] =	vst v9;
	v9 =	vld [tilespmem:$0x740];
	vm13 =	vmand vm13, vm14;
	vm3 =	vmand vm3, vm9;
	vm14 =	vge.s32 v16, s0  }
0x9d: {  	[tilespmem:$0xA00] =	vst v3;
	vm15 =	vne.s32 v57, v56;
	v3 =	vadd.s32 v56, v40;
	v56 =	vsel vm7, $0x3F800000, v0  }
0x9e: {  	vm1 =	vmand vm13, vm15;
	v40 =	vnsel vm13, $0x50000, v3;
	v3 =	vmul.u32 $0x500, v36  }
0x9f: {  	[tilespmem:$0x1210] =	vst v4;
	v57 =	vld [tilespmem:$0x1FFE0];
	vm13 =	vne.s32 v62, v63;
	v62 =	vsub.s32 v16, v5;
	vm15 =	vlt.s32 v16, s1  }
0xa0: {  	[tilespmem:$0xB50] =	vst v44;
	v44 =	vld [tilespmem:$0x310];
	v4 =	vmul.u32 $0x500, v62;
	vm14 =	vmand vm14, vm15;
	vm15 =	vne.s32 v16, v2  }
0xa1: {  	[tilespmem:$0xBB0] =	vst v50;
	v50 =	vld [tilespmem:$0x330];
	vm7 =	vmand vm3, vm13;
	vm13 =	vne.s32 v1, v9;
	v3 =	vadd.s32 v63, v3  }
0xa2: {  	[tilespmem:$0x1230] =	vst v7;
	v62 =	vld [tilespmem:$0x250];
	v16 =	vsel vm0, $0x3F800000, v0;
	v2 =	vadd.s32 v2, v4;
	v3 =	vnsel vm3, $0x50000, v3  }
0xa3: {  	[tilespmem:$0x12B0] =	vst v24;
	vm3 =	vmand vm14, vm15;
	v4 =	vmul.u32 $0x500, v8;
	vm15 =	vlt.s32 v1, s1  }
0xa4: {  	v7 =	vld [tilespmem:$0x750];
	[tilespmem:$0xA10] =	vst v57;
	v57 =	vsel vm6, $0x3F800000, v0;
	v36 =	vnsel vm14, $0x50000, v2;
	vm14 =	vge.s32 v1, s0  }
0xa5: {  	v24 =	vsel vm1, $0x3F800000, v0;
	v8 =	vld [tilespmem:$0x260];
	v2 =	vsel vm2, $0x3F800000, v0;
	vm9 =	vmand vm14, vm15;
	[tilespmem:$0x1380] =	vst v57  }
0xa6: {  	v1 =	vadd.s32 v9, v4;
	[tilespmem:$0x13A0] =	vst v2;
	v2 =	vsub.s32 v44, v5;
	v57 =	vsub.s32 v50, v5  }
0xa7: {  	v9 =	vld [tilespmem:$0x760];
	vm6 =	vmand vm9, vm13;
	v4 =	vnsel vm9, $0x50000, v1;
	v1 =	vsub.s32 v62, v5  }
0xa8: {  	vm9 =	vge.s32 v62, s0;
	vm13 =	vlt.s32 v62, s1;
	v1 =	vmul.u32 $0x500, v1  }
0xa9: {  	v63 =	vld [tilespmem:$0x1FFF0];
	vm15 =	vne.s32 v62, v7;
	v62 =	vsel vm4, $0x3F800000, v0;
	vm14 =	vmand vm9, vm13  }
0xaa: {  	[tilespmem:$0xA50] =	vst v15;
	v15 =	vld [tilespmem:$0x770];
	vm0 =	vmand vm14, vm15;
	vm9 =	vge.s32 v8, s0;
	v1 =	vadd.s32 v7, v1  }
0xab: {  	[tilespmem:$0xA60] =	vst v6;
	vm13 =	vlt.s32 v8, s1;
	vm15 =	vge.s32 v12, s0;
	v6 =	vnsel vm14, $0x50000, v1  }
0xac: {  	[tilespmem:$0x1300] =	vst v35;
	v1 =	vsub.s32 v8, v5;
	vm14 =	vne.s32 v8, v9;
	v8 =	vmul.u32 $0x500, v18;
	v18 =	vld [tilespmem:$0x7A0]  }
0xad: {  	[tilespmem:$0xB10] =	vst v39;
	vm4 =	vmand vm9, vm13;
	vm13 =	vlt.s32 v12, s1;
	v1 =	vmul.u32 $0x500, v1  }
0xae: {  	v35 =	vld [tilespmem:$0x7E0];
	[tilespmem:$0x1220] =	vst v63;
	v63 =	vsel vm5, $0x3F800000, v0;
	v39 =	vsel vm0, $0x3F800000, v0;
	vm5 =	vmand vm15, vm13  }
0xaf: {  	[tilespmem:$0xA80] =	vst v21;
	vm2 =	vmand vm4, vm14;
	vm14 =	vne.s32 v12, v15;
	v1 =	vadd.s32 v9, v1;
	v9 =	vld [tilespmem:$0x280]  }
0xb0: {  	v21 =	vld [tilespmem:$0x780];
	[tilespmem:$0x1310] =	vst v38;
	v7 =	vadd.s32 v15, v8;
	v15 =	vsel vm7, $0x3F800000, v0;
	v38 =	vsel vm2, $0x3F800000, v0  }
0xb1: {  	v12 =	vld [tilespmem:$0x790];
	vm10 =	vne.s32 v17, v18;
	v10 =	vadd.s32 v18, v10;
	v18 =	vmul.u32 $0x500, v41  }
0xb2: {  	[tilespmem:$0xB00] =	vst v34;
	v7 =	vnsel vm5, $0x50000, v7;
	v8 =	vnsel vm4, $0x50000, v1;
	vm4 =	vmand vm5, vm14  }
0xb3: {  	[tilespmem:$0x1360] =	vst v55;
	vm14 =	vge.s32 v22, s0;
	v34 =	vsel vm4, $0x3F800000, v0;
	v55 =	vadd.s32 v35, v18  }
0xb4: {  	[tilespmem:$0x12D0] =	vst v29;
	v29 =	vld [tilespmem:$0x2C0];
	vm15 =	vge.s32 v9, s0;
	vm12 =	vlt.s32 v9, s1;
	v1 =	vsub.s32 v9, v5  }
0xb5: {  	vm13 =	vne.s32 v9, v21;
	vm5 =	vmand vm15, vm12;
	v1 =	vmul.u32 $0x500, v1  }
0xb6: {  	vm15 =	vlt.s32 v22, s1;
	vm12 =	vne.s32 v22, v12;
	v22 =	vsel vm6, $0x3F800000, v0  }
0xb7: {  	[tilespmem:$0x12F0] =	vst v31;
	v31 =	vld [tilespmem:$0x7C0];
	vm1 =	vmand vm5, vm13;
	vm13 =	vmand vm14, vm15;
	vm14 =	vge.s32 v17, s0  }
0xb8: {  	vm15 =	vlt.s32 v17, s1;
	v1 =	vadd.s32 v21, v1;
	v21 =	vsel vm3, $0x3F800000, v0  }
0xb9: {  	[tilespmem:$0xAD0] =	vst v28;
	vm9 =	vmand vm14, vm15;
	vm14 =	vge.s32 v29, s0;
	vm15 =	vlt.s32 v29, s1  }
0xba: {  	v28 =	vld [tilespmem:$0x7B0];
	[tilespmem:$0xB20] =	vst v37;
	v37 =	vsel vm1, $0x3F800000, v0;
	v9 =	vnsel vm5, $0x50000, v1;
	v1 =	vmul.u32 $0x500, v23  }
0xbb: {  	vm5 =	vmand vm13, vm12;
	vm3 =	vmand vm9, vm10;
	v10 =	vnsel vm9, $0x50000, v10  }
0xbc: {  	[tilespmem:$0x1350] =	vst v58;
	v58 =	vld [tilespmem:$0x300];
	vm12 =	vlt.s32 v25, s1;
	vm9 =	vmand vm14, vm15;
	vm10 =	vne.s32 v29, v31  }
0xbd: {  	[tilespmem:$0x1340] =	vst v60;
	v60 =	vld [tilespmem:$0x800];
	vm15 =	vge.s32 v14, s0;
	vm7 =	vmand vm11, vm12;
	v1 =	vadd.s32 v12, v1  }
0xbe: {  	[tilespmem:$0x1370] =	vst v56;
	v56 =	vld [tilespmem:$0x340];
	vm0 =	vmand vm9, vm10;
	v12 =	vnsel vm13, $0x50000, v1;
	v1 =	vmul.u32 $0x500, v30  }
0xbf: {  	[tilespmem:$0xAF0] =	vst v32;
	vm10 =	vne.s32 v14, v35;
	v32 =	vsel vm0, $0x3F800000, v0;
	vm13 =	vne.s32 v25, v28;
	v25 =	vld [tilespmem:$0x2D0]  }
0xc0: {  	v26 =	vld [tilespmem:$0x7D0];
	vm6 =	vmand vm7, vm13;
	v1 =	vadd.s32 v28, v1;
	v28 =	vsel vm5, $0x3F800000, v0  }
0xc1: {  	v23 =	vsel vm6, $0x3F800000, v0;
	vm5 =	vge.s32 v58, s0;
	vm6 =	vlt.s32 v58, s1  }
0xc2: {  	[tilespmem:$0x1240] =	vst v11;
	v11 =	vnsel vm7, $0x50000, v1;
	v1 =	vsub.s32 v29, v5;
	vm7 =	vne.s32 v58, v60  }
0xc3: {  	[tilespmem:$0x1330] =	vst v42;
	v42 =	vld [tilespmem:$0x2F0];
	vm0 =	vmand vm5, vm6;
	vm5 =	vlt.s32 v50, s1;
	v1 =	vmul.u32 $0x500, v1  }
0xc4: {  	[tilespmem:$0xB60] =	vst v46;
	v46 =	vld [tilespmem:$0x7F0];
	vm1 =	vmand vm0, vm7;
	vm7 =	vge.s32 v56, s0;
	vm11 =	vge.s32 v25, s0  }
0xc5: {  	vm12 =	vlt.s32 v25, s1;
	vm14 =	vne.s32 v25, v26;
	v1 =	vadd.s32 v31, v1  }
0xc6: {  	[tilespmem:$0xB30] =	vst v13;
	v29 =	vsel vm1, $0x3F800000, v0;
	v13 =	vnsel vm9, $0x50000, v1;
	v1 =	vsub.s32 v25, v5  }
0xc7: {  	[tilespmem:$0xB80] =	vst v47;
	v47 =	vld [tilespmem:$0x810];
	vm13 =	vmand vm11, vm12;
	v31 =	vsel vm3, $0x3F800000, v0;
	v1 =	vmul.u32 $0x500, v1  }
0xc8: {  	vm12 =	vge.s32 v42, s0;
	vm9 =	vmand vm15, vm8;
	vm2 =	vmand vm13, vm14  }
0xc9: {  	vm15 =	vne.s32 v42, v46;
	vm8 =	vge.s32 v44, s0;
	v1 =	vadd.s32 v26, v1  }
0xca: {  	[tilespmem:$0xB90] =	vst v49;
	v49 =	vld [tilespmem:$0x320];
	vm11 =	vmand vm9, vm10;
	v17 =	vnsel vm13, $0x50000, v1;
	v1 =	vsub.s32 v42, v5  }
0xcb: {  	[tilespmem:$0xA90] =	vst v20;
	v14 =	vnsel vm9, $0x50000, v55;
	vm9 =	vlt.s32 v44, s1;
	v55 =	vld [tilespmem:$0x830];
	v1 =	vmul.u32 $0x500, v1  }
0xcc: {  	[tilespmem:$0xAE0] =	vst v33;
	vm10 =	vne.s32 v44, v47;
	v18 =	vsel vm11, $0x3F800000, v0;
	vm13 =	vlt.s32 v42, s1  }
0xcd: {  	[tilespmem:$0xB70] =	vst v43;
	vm14 =	vmand vm12, vm13;
	v1 =	vadd.s32 v46, v1;
	v46 =	vsub.s32 v58, v5  }
0xce: {  	[tilespmem:$0x13D0] =	vst v59;
	v26 =	vsel vm2, $0x3F800000, v0;
	v58 =	vld [tilespmem:$0x840];
	v20 =	vnsel vm14, $0x50000, v1;
	v1 =	vmul.u32 $0x500, v46  }
0xcf: {  	v59 =	vld [tilespmem:$0x350];
	[tilespmem:$0x13E0] =	vst v61;
	vm12 =	vge.s32 v49, s0;
	vm13 =	vlt.s32 v49, s1;
	vm4 =	vmand vm14, vm15  }
0xd0: {  	v61 =	vld [tilespmem:$0x850];
	[tilespmem:$0x1390] =	vst v16;
	vm6 =	vne.s32 v50, v55;
	v16 =	vsel vm4, $0x3F800000, v0;
	v1 =	vadd.s32 v60, v1  }
0xd1: {  	[tilespmem:$0xBA0] =	vst v45;
	vm4 =	vge.s32 v50, s0;
	v25 =	vnsel vm0, $0x50000, v1;
	v1 =	vmul.u32 $0x500, v2;
	v2 =	vld [tilespmem:$0x820]  }
0xd2: {  	[tilespmem:$0x13B0] =	vst v62;
	v62 =	vld [tilespmem:$0x360];
	v60 =	vsub.s32 v56, v5;
	vm0 =	vmand vm8, vm9;
	vm8 =	vlt.s32 v56, s1  }
0xd3: {  	[tilespmem:$0xBC0] =	vst v52;
	v44 =	vld [tilespmem:$0x3C0];
	vm11 =	vmand vm0, vm10;
	vm9 =	vne.s32 v56, v58;
	v1 =	vadd.s32 v47, v1  }
0xd4: {  	[tilespmem:$0xBE0] =	vst v53;
	v35 =	vsel vm11, $0x3F800000, v0;
	v30 =	vnsel vm0, $0x50000, v1;
	v1 =	vsub.s32 v49, v5  }
0xd5: {  	[tilespmem:$0x13C0] =	vst v63;
	v63 =	vld [tilespmem:$0x860];
	vm11 =	vge.s32 v59, s0;
	vm0 =	vmand vm12, vm13;
	v1 =	vmul.u32 $0x500, v1  }
0xd6: {  	[tilespmem:$0x13F0] =	vst v19;
	vm12 =	vlt.s32 v59, s1;
	vm13 =	vne.s32 v59, v61;
	vm14 =	vne.s32 v49, v2  }
0xd7: {  	[tilespmem:$0x1400] =	vst v27;
	v49 =	vsub.s32 v62, v5;
	vm15 =	vmand vm0, vm14;
	v1 =	vadd.s32 v2, v1  }
0xd8: {  	[tilespmem:$0xC00] =	vst v51;
	v47 =	vld [tilespmem:$0x3D0];
	v51 =	vmul.u32 $0x500, v49;
	v49 =	vsub.s32 v44, v5;
	v2 =	vnsel vm0, $0x50000, v1  }
0xd9: {  	[tilespmem:$0xC10] =	vst v40;
	v50 =	vld [tilespmem:$0x870];
	v33 =	vsel vm15, $0x3F800000, v0;
	v1 =	vmul.u32 $0x500, v57;
	vm0 =	vmand vm4, vm5  }
0xda: {  	[tilespmem:$0x1410] =	vst v24;
	v46 =	vld [tilespmem:$0x8C0];
	vm15 =	vge.s32 v62, s0;
	vm4 =	vlt.s32 v62, s1;
	vm5 =	vne.s32 v62, v63  }
0xdb: {  	v52 =	vld [tilespmem:$0x380];
	[tilespmem:$0xC20] =	vst v3;
	vm1 =	vmand vm0, vm6;
	v53 =	vadd.s32 v63, v51;
	vm6 =	vge.s32 v48, s0  }
0xdc: {  	[tilespmem:$0xC30] =	vst v36;
	v51 =	vmul.u32 $0x500, v49;
	v1 =	vadd.s32 v55, v1;
	v27 =	vsel vm1, $0x3F800000, v0  }
0xdd: {  	[tilespmem:$0xC40] =	vst v4;
	v56 =	vld [tilespmem:$0x880];
	v55 =	vmul.u32 $0x500, v54;
	v54 =	vsub.s32 v47, v5;
	v19 =	vnsel vm0, $0x50000, v1  }
0xde: {  	[tilespmem:$0x1450] =	vst v39;
	v63 =	vld [tilespmem:$0x3B0];
	v1 =	vmul.u32 $0x500, v60;
	vm0 =	vmand vm7, vm8;
	vm7 =	vlt.s32 v48, s1  }
0xdf: {  	[tilespmem:$0xCB0] =	vst v11;
	vm8 =	vne.s32 v48, v50;
	v60 =	vld [tilespmem:$0x3A0];
	v11 =	vadd.s32 v46, v51;
	vm10 =	vmand vm0, vm9  }
0xe0: {  	[tilespmem:$0xC50] =	vst v6;
	v57 =	vld [tilespmem:$0x390];
	v6 =	vadd.s32 v50, v55;
	v1 =	vadd.s32 v58, v1;
	v58 =	vsub.s32 v52, v5  }
0xe1: {  	[tilespmem:$0x1420] =	vst v15;
	v24 =	vnsel vm0, $0x50000, v1;
	v1 =	vsub.s32 v59, v5;
	vm0 =	vmand vm11, vm12  }
0xe2: {  	[tilespmem:$0x1460] =	vst v38;
	vm11 =	vlt.s32 v52, s1;
	vm12 =	vne.s32 v52, v56;
	v3 =	vmul.u32 $0x500, v1  }
0xe3: {  	[tilespmem:$0xC70] =	vst v7;
	v45 =	vsub.s32 v63, v5;
	v1 =	vsel vm10, $0x3F800000, v0;
	vm14 =	vmand vm0, vm13  }
0xe4: {  	[tilespmem:$0xC60] =	vst v8;
	v59 =	vld [tilespmem:$0x890];
	vm10 =	vge.s32 v52, s0;
	v41 =	vsub.s32 v60, v5;
	v3 =	vadd.s32 v61, v3  }
0xe5: {  	[tilespmem:$0x1470] =	vst v34;
	v49 =	vld [tilespmem:$0x4A0];
	v61 =	vsub.s32 v57, v5;
	v42 =	vmul.u32 $0x500, v41;
	v15 =	vnsel vm0, $0x50000, v3  }
0xe6: {  	[tilespmem:$0x1440] =	vst v22;
	v3 =	vsel vm14, $0x3F800000, v0;
	vm0 =	vmand vm15, vm4;
	vm14 =	vge.s32 v57, s0  }
0xe7: {  	[tilespmem:$0xC80] =	vst v9;
	vm15 =	vlt.s32 v57, s1;
	v9 =	vmul.u32 $0x500, v61;
	vm1 =	vmand vm0, vm5  }
0xe8: {  	[tilespmem:$0x1430] =	vst v21;
	v62 =	vld [tilespmem:$0x8A0];
	v4 =	vnsel vm0, $0x50000, v53;
	vm0 =	vmand vm6, vm7;
	vm6 =	vmand vm14, vm15  }
0xe9: {  	[tilespmem:$0x1480] =	vst v37;
	vm7 =	vne.s32 v57, v59;
	vm14 =	vge.s32 v44, s0;
	vm15 =	vlt.s32 v44, s1  }
0xea: {  	[tilespmem:$0xCA0] =	vst v10;
	vm5 =	vge.s32 v49, s0;
	v8 =	vsel vm1, $0x3F800000, v0;
	vm9 =	vmand vm0, vm8  }
0xeb: {  	[tilespmem:$0x14C0] =	vst v32;
	v50 =	vld [tilespmem:$0x3E0];
	v21 =	vnsel vm0, $0x50000, v6;
	v6 =	vmul.u32 $0x500, v58;
	vm0 =	vmand vm10, vm11  }
0xec: {  	v43 =	vld [tilespmem:$0x8B0];
	[tilespmem:$0xC90] =	vst v12;
	v9 =	vadd.s32 v59, v9;
	vm1 =	vmand vm6, vm7;
	vm8 =	vge.s32 v60, s0  }
0xed: {  	[tilespmem:$0x1520] =	vst v33;
	v33 =	vld [tilespmem:$0x450];
	vm10 =	vne.s32 v60, v62;
	vm11 =	vge.s32 v63, s0;
	vm7 =	vne.s32 v44, v46  }
0xee: {  	[tilespmem:$0x1490] =	vst v28;
	v7 =	vsel vm9, $0x3F800000, v0;
	vm13 =	vmand vm0, vm12;
	v10 =	vnsel vm6, $0x50000, v9  }
0xef: {  	[tilespmem:$0x14B0] =	vst v23;
	v48 =	vld [tilespmem:$0x8D0];
	v28 =	vsel vm1, $0x3F800000, v0;
	vm9 =	vlt.s32 v60, s1;
	v9 =	vadd.s32 v62, v42  }
0xf0: {  	[tilespmem:$0x1500] =	vst v29;
	v55 =	vld [tilespmem:$0x8F0];
	vm12 =	vlt.s32 v63, s1;
	vm6 =	vmand vm14, vm15;
	v60 =	vsub.s32 v50, v5  }
0xf1: {  	[tilespmem:$0xCF0] =	vst v20;
	v52 =	vld [tilespmem:$0x8E0];
	v6 =	vadd.s32 v56, v6;
	v12 =	vsel vm13, $0x3F800000, v0;
	vm13 =	vne.s32 v63, v43  }
0xf2: {  	v53 =	vld [tilespmem:$0x3F0];
	v20 =	vnsel vm6, $0x50000, v11;
	v56 =	vmul.u32 $0x500, v54;
	[tilespmem:$0x1590] =	vst v28;
	v28 =	vsub.s32 v33, v5  }
0xf3: {  	[tilespmem:$0xD30] =	vst v19;
	v61 =	vld [tilespmem:$0x910];
	v22 =	vnsel vm0, $0x50000, v6;
	vm0 =	vmand vm8, vm9;
	vm8 =	vge.s32 v47, s0  }
0xf4: {  	[tilespmem:$0xD60] =	vst v4;
	v4 =	vld [tilespmem:$0x4D0];
	vm9 =	vlt.s32 v47, s1;
	v19 =	vmul.u32 $0x500, v28;
	vm1 =	vmand vm0, vm10  }
0xf5: {  	[tilespmem:$0x14A0] =	vst v31;
	v59 =	vld [tilespmem:$0x410];
	v23 =	vnsel vm0, $0x50000, v9;
	v9 =	vmul.u32 $0x500, v45;
	vm0 =	vmand vm11, vm12  }
0xf6: {  	[tilespmem:$0xCC0] =	vst v13;
	v62 =	vld [tilespmem:$0x420];
	vm10 =	vne.s32 v47, v48;
	v6 =	vadd.s32 v48, v56;
	vm11 =	vge.s32 v50, s0  }
0xf7: {  	[tilespmem:$0xCE0] =	vst v14;
	vm12 =	vlt.s32 v50, s1;
	v41 =	vsub.s32 v53, v5;
	vm14 =	vge.s32 v53, s0  }
0xf8: {  	[tilespmem:$0x14E0] =	vst v18;
	v57 =	vld [tilespmem:$0x400];
	vm15 =	vlt.s32 v53, s1;
	v31 =	vsel vm1, $0x3F800000, v0;
	vm1 =	vmand vm0, vm13  }
0xf9: {  	[tilespmem:$0x14D0] =	vst v26;
	vm13 =	vne.s32 v50, v52;
	vm2 =	vge.s32 v4, s0;
	v9 =	vadd.s32 v43, v9  }
0xfa: {  	v34 =	vld [tilespmem:$0x440];
	[tilespmem:$0xCD0] =	vst v17;
	v17 =	vsel vm1, $0x3F800000, v0;
	vm1 =	vmand vm6, vm7;
	vm6 =	vmand vm14, vm15  }
0xfb: {  	[tilespmem:$0x14F0] =	vst v16;
	v58 =	vld [tilespmem:$0x900];
	vm7 =	vne.s32 v53, v55;
	vm14 =	vne.s32 v59, v61;
	vm15 =	vlt.s32 v62, s1  }
0xfc: {  	[tilespmem:$0xD00] =	vst v25;
	v45 =	vld [tilespmem:$0x470];
	v53 =	vsub.s32 v62, v5;
	v36 =	vnsel vm0, $0x50000, v9;
	v16 =	vsel vm1, $0x3F800000, v0  }
0xfd: {  	[tilespmem:$0x1510] =	vst v35;
	v47 =	vld [tilespmem:$0x480];
	vm0 =	vmand vm8, vm9;
	vm8 =	vmand vm6, vm7;
	vm9 =	vge.s32 v57, s0  }
0xfe: {  	[tilespmem:$0x1570] =	vst v7;
	v54 =	vld [tilespmem:$0x920];
	v7 =	vmul.u32 $0x500, v53;
	vm1 =	vmand vm0, vm10;
	v29 =	vnsel vm0, $0x50000, v6  }
0xff: {  	[tilespmem:$0xD10] =	vst v30;
	v6 =	vmul.u32 $0x500, v60;
	vm0 =	vmand vm11, vm12;
	v46 =	vsel vm8, $0x3F800000, v0  }
0x100: {  	[tilespmem:$0xD20] =	vst v2;
	vm10 =	vlt.s32 v57, s1;
	vm11 =	vne.s32 v57, v58;
	vm12 =	vge.s32 v59, s0  }
0x101: {  	[tilespmem:$0x1530] =	vst v27;
	v43 =	vld [tilespmem:$0x460];
	v60 =	vsub.s32 v34, v5;
	v35 =	vsel vm1, $0x3F800000, v0;
	vm1 =	vmand vm0, vm13  }
0x102: {  	[tilespmem:$0xD40] =	vst v24;
	v48 =	vld [tilespmem:$0x490];
	vm13 =	vlt.s32 v59, s1;
	vm8 =	vge.s32 v45, s0;
	vm7 =	vge.s32 v47, s0  }
0x103: {  	[tilespmem:$0x1550] =	vst v3;
	v3 =	vld [tilespmem:$0x4E0];
	v7 =	vadd.s32 v54, v7;
	v38 =	vsub.s32 v47, v5;
	v2 =	vadd.s32 v52, v6  }
0x104: {  	v63 =	vld [tilespmem:$0x430];
	v6 =	vmul.u32 $0x500, v41;
	v44 =	vsel vm1, $0x3F800000, v0;
	[tilespmem:$0x15D0] =	vst v35;
	v35 =	vsub.s32 v45, v5  }
0x105: {  	[tilespmem:$0x1540] =	vst v1;
	v42 =	vnsel vm0, $0x50000, v2;
	vm0 =	vmand vm9, vm10;
	vm10 =	vge.s32 v33, s0  }
0x106: {  	[tilespmem:$0x15A0] =	vst v31;
	vm9 =	vge.s32 v43, s0;
	v31 =	vsub.s32 v43, v5;
	v2 =	vadd.s32 v55, v6  }
0x107: {  	v40 =	vld [tilespmem:$0x990];
	vm1 =	vmand vm0, vm11;
	vm11 =	vge.s32 v34, s0;
	[tilespmem:$0xDE0] =	vst v42;
	v42 =	vsub.s32 v48, v5  }
0x108: {  	[tilespmem:$0xD50] =	vst v15;
	v6 =	vld [tilespmem:$0x4B0];
	v18 =	vnsel vm6, $0x50000, v2;
	v2 =	vsub.s32 v57, v5;
	v51 =	vsel vm1, $0x3F800000, v0  }
0x109: {  	[tilespmem:$0x1560] =	vst v8;
	v55 =	vld [tilespmem:$0x930];
	vm6 =	vge.s32 v48, s0;
	vm1 =	vge.s32 v3, s0;
	v57 =	vsub.s32 v63, v5  }
0x10a: {  	[tilespmem:$0xD80] =	vst v22;
	v13 =	vmul.u32 $0x500, v42;
	v1 =	vmul.u32 $0x500, v2;
	v2 =	vsub.s32 v59, v5  }
0x10b: {  	v22 =	vmul.u32 $0x500, v57;
	[tilespmem:$0xDF0] =	vst v18;
	v18 =	vmul.u32 $0x500, v31;
	v2 =	vmul.u32 $0x500, v2  }
0x10c: {  	[tilespmem:$0x15F0] =	vst v46;
	v57 =	vsub.s32 v4, v5;
	v46 =	vadd.s32 v40, v13;
	v1 =	vadd.s32 v58, v1  }
0x10d: {  	[tilespmem:$0xD70] =	vst v21;
	v50 =	vnsel vm0, $0x50000, v1;
	vm0 =	vmand vm12, vm13;
	v2 =	vadd.s32 v61, v2  }
0x10e: {  	[tilespmem:$0xD90] =	vst v10;
	vm12 =	vge.s32 v63, s0;
	vm4 =	vge.s32 v6, s0;
	v10 =	vadd.s32 v55, v22  }
0x10f: {  	v32 =	vld [tilespmem:$0x970];
	[tilespmem:$0x1580] =	vst v12;
	v61 =	vmul.u32 $0x500, v60;
	v60 =	vsub.s32 v3, v5;
	vm13 =	vmand vm0, vm14  }
0x110: {  	v58 =	vld [tilespmem:$0x940];
	v52 =	vnsel vm0, $0x50000, v2;
	vm14 =	vge.s32 v62, s0;
	[tilespmem:$0xE00] =	vst v50;
	v50 =	vsub.s32 v6, v5  }
0x111: {  	[tilespmem:$0xDC0] =	vst v20;
	v1 =	vld [tilespmem:$0x4C0];
	vm14 =	vmand vm14, vm15;
	v56 =	vsel vm13, $0x3F800000, v0;
	vm13 =	vne.s32 v62, v54  }
0x112: {  	[tilespmem:$0xDA0] =	vst v23;
	vm15 =	vlt.s32 v33, s1;
	vm13 =	vmand vm14, vm13;
	v7 =	vnsel vm14, $0x50000, v7  }
0x113: {  	[tilespmem:$0x15C0] =	vst v16;
	vm14 =	vlt.s32 v34, s1;
	vm10 =	vmand vm10, vm15;
	vm15 =	vlt.s32 v47, s1  }
0x114: {  	[tilespmem:$0xDD0] =	vst v29;
	v2 =	vld [tilespmem:$0x4F0];
	v59 =	vsel vm13, $0x3F800000, v0;
	vm13 =	vlt.s32 v63, s1;
	vm11 =	vmand vm11, vm14  }
0x115: {  	v29 =	vld [tilespmem:$0x960];
	v16 =	vadd.s32 v58, v61;
	[tilespmem:$0xE20] =	vst v7;
	vm14 =	vne.s32 v45, v32;
	v7 =	vmul.u32 $0x500, v38  }
0x116: {  	[tilespmem:$0xDB0] =	vst v36;
	v36 =	vld [tilespmem:$0x980];
	vm7 =	vmand vm7, vm15;
	vm15 =	vlt.s32 v49, s1;
	vm3 =	vge.s32 v1, s0  }
0x117: {  	[tilespmem:$0x15B0] =	vst v17;
	v62 =	vld [tilespmem:$0x950];
	vm12 =	vmand vm12, vm13;
	vm13 =	vne.s32 v63, v55;
	v16 =	vnsel vm11, $0x50000, v16  }
0x118: {  	[tilespmem:$0x15E0] =	vst v44;
	vm5 =	vmand vm5, vm15;
	v53 =	vsub.s32 v1, v5;
	vm15 =	vlt.s32 v1, s1  }
0x119: {  	[tilespmem:$0x1600] =	vst v51;
	vm0 =	vge.s32 v2, s0;
	vm13 =	vmand vm12, vm13;
	v10 =	vnsel vm12, $0x50000, v10  }
0x11a: {  	[tilespmem:$0xE10] =	vst v52;
	vm12 =	vne.s32 v34, v58;
	v34 =	vadd.s32 v29, v18;
	v18 =	vmul.u32 $0x500, v35  }
0x11b: {  	[tilespmem:$0x1610] =	vst v56;
	v7 =	vadd.s32 v36, v7;
	v63 =	vsel vm13, $0x3F800000, v0;
	vm12 =	vmand vm11, vm12  }
0x11c: {  	[tilespmem:$0x1620] =	vst v59;
	vm11 =	vne.s32 v33, v62;
	v19 =	vadd.s32 v62, v19;
	vm13 =	vlt.s32 v45, s1  }
0x11d: {  	[tilespmem:$0xE40] =	vst v16;
	v7 =	vnsel vm7, $0x50000, v7;
	v45 =	vsub.s32 v49, v5;
	v30 =	vsel vm12, $0x3F800000, v0  }
0x11e: {  	[tilespmem:$0xE30] =	vst v10;
	vm12 =	vlt.s32 v43, s1;
	vm11 =	vmand vm10, vm11;
	v19 =	vnsel vm10, $0x50000, v19  }
0x11f: {  	v55 =	vld [tilespmem:$0x9D0];
	vm8 =	vmand vm8, vm13;
	v39 =	vadd.s32 v32, v18;
	[tilespmem:$0x1630] =	vst v63;
	vm13 =	vlt.s32 v48, s1  }
0x120: {  	v11 =	vmul.u32 $0x500, v45;
	[tilespmem:$0xE80] =	vst v7;
	vm9 =	vmand vm9, vm12;
	v33 =	vsel vm11, $0x3F800000, v0  }
0x121: {  	v51 =	vld [tilespmem:$0x9C0];
	vm12 =	vne.s32 v43, v29;
	v14 =	vnsel vm8, $0x50000, v39;
	[tilespmem:$0x1640] =	vst v30;
	vm6 =	vmand vm6, vm13  }
0x122: {  	v58 =	vld [tilespmem:$0x9E0];
	[tilespmem:$0xE50] =	vst v19;
	vm13 =	vlt.s32 v6, s1;
	vm10 =	vmand vm9, vm12;
	v15 =	vnsel vm9, $0x50000, v34  }
0x123: {  	v43 =	vld [tilespmem:$0x9A0];
	vm9 =	vmand vm8, vm14;
	vm12 =	vne.s32 v47, v36;
	vm14 =	vne.s32 v48, v40;
	[tilespmem:$0x1650] =	vst v33  }
0x124: {  	v8 =	vnsel vm6, $0x50000, v46;
	[tilespmem:$0xE70] =	vst v14;
	vm4 =	vmand vm4, vm13;
	vm11 =	vne.s32 v4, v55  }
0x125: {  	v47 =	vld [tilespmem:$0x9B0];
	v37 =	vsel vm10, $0x3F800000, v0;
	v41 =	vsel vm9, $0x3F800000, v0;
	vm8 =	vmand vm7, vm12;
	[tilespmem:$0xE60] =	vst v15  }
0x126: {  	vm7 =	vmand vm6, vm14;
	[tilespmem:$0xE90] =	vst v8;
	vm9 =	vne.s32 v1, v51;
	vm10 =	vlt.s32 v4, s1  }
0x127: {  	v4 =	vmul.u32 $0x500, v60;
	vm13 =	vne.s32 v3, v58;
	v44 =	vsel vm8, $0x3F800000, v0;
	[tilespmem:$0x1660] =	vst v37  }
0x128: {  	v48 =	vsel vm7, $0x3F800000, v0;
	[tilespmem:$0x1670] =	vst v41;
	vm12 =	vne.s32 v49, v43;
	v49 =	vadd.s32 v43, v11  }
0x129: {  	[tilespmem:$0x1680] =	vst v44;
	v11 =	vmul.u32 $0x500, v50;
	vm6 =	vmand vm5, vm12;
	v9 =	vnsel vm5, $0x50000, v49  }
0x12a: {  	[tilespmem:$0x1690] =	vst v48;
	vm14 =	vne.s32 v6, v47;
	v6 =	vmul.u32 $0x500, v53;
	vm12 =	vlt.s32 v3, s1  }
0x12b: {  	v61 =	vld [tilespmem:$0x9F0];
	v3 =	vadd.s32 v58, v4;
	v52 =	vsel vm6, $0x3F800000, v0;
	v54 =	vadd.s32 v47, v11;
	[tilespmem:$0xEA0] =	vst v9  }
0x12c: {  	vm5 =	vmand vm4, vm14;
	vm1 =	vmand vm1, vm12;
	v7 =	vnsel vm4, $0x50000, v54;
	[tilespmem:$0x16A0] =	vst v52  }
0x12d: {  	v56 =	vsel vm5, $0x3F800000, v0;
	v1 =	vadd.s32 v51, v6;
	v6 =	vmul.u32 $0x500, v57;
	[tilespmem:$0xEB0] =	vst v7  }
0x12e: {  	vm3 =	vmand vm3, vm15;
	v63 =	vsub.s32 v2, v5;
	v3 =	vnsel vm1, $0x50000, v3;
	[tilespmem:$0x16B0] =	vst v56  }
0x12f: {  	vm2 =	vmand vm2, vm10;
	v1 =	vnsel vm3, $0x50000, v1;
	[tilespmem:$0xEE0] =	vst v3;
	v6 =	vadd.s32 v55, v6  }
0x130: {  	vm15 =	vne.s32 v2, v61;
	vm4 =	vmand vm3, vm9;
	[tilespmem:$0xEC0] =	vst v1;
	v1 =	vnsel vm2, $0x50000, v6  }
0x131: {  	v59 =	vsel vm4, $0x3F800000, v0;
	vm3 =	vmand vm2, vm11;
	[tilespmem:$0xED0] =	vst v1;
	v1 =	vmul.u32 $0x500, v63  }
0x132: {  	vm14 =	vlt.s32 v2, s1;
	v62 =	vsel vm3, $0x3F800000, v0;
	[tilespmem:$0x16C0] =	vst v59;
	vm3 =	vmand vm1, vm13  }
0x133: {  	vm0 =	vmand vm0, vm14;
	[tilespmem:$0x16D0] =	vst v62;
	v3 =	vsel vm3, $0x3F800000, v0;
	v1 =	vadd.s32 v61, v1  }
0x134: {  	vm1 =	vmand vm0, vm15;
	[tilespmem:$0x16E0] =	vst v3;
	v1 =	vnsel vm0, $0x50000, v1  }
0x135: {  	[tilespmem:$0xEF0] =	vst v1;
	v1 =	vsel vm1, $0x3F800000, v0  }
0x136: {  	[tilespmem:$0x16F0] =	vst v1  }
0x137: {  	[bflag:$0x0] =	sbarrier.arrive $0xFFFF  }
0x138: {  	[spmem:s2] =	stream.indirect.scatter.add.f32 [tilespmem:s11], [sflag:$0x1], $0x1, s10, s9, $0xb8;
	[tilespmem:$0xBA08] =	vst v63  }
0x139: {  	_ =	swait.ge [sflag:s4], $0x80  }
0x13a: {  	[sflag:s4] =	ssyncset.done $0x0  }
0x13b: {  	[sflag:s4] =	ssyncadd.s32 $0xFFFFFF80  }
0x13c: {  	[spmem:s2] =	stream.indirect.scatter.add.f32 [tilespmem:s13], [sflag:$0x1], $0x1, s12, s9, $0xb8;
	[tilespmem:$0xBA08] =	vst v63  }
0x13d: {  	_ =	swait.ge [sflag:s4], $0x80  }
0x13e: {  	[sflag:s4] =	ssyncset.done $0x0  }
0x13f: {  	[sflag:s4] =	ssyncadd.s32 $0xFFFFFF80  }
0x140: {  	[spmem:s2] =	stream.indirect.scatter.add.f32 [tilespmem:s15], [sflag:$0x1], $0x1, s14, s9, $0xb8;
	[tilespmem:$0xBA08] =	vst v63  }
0x141: {  	_ =	swait.ge [sflag:s4], $0x80  }
0x142: {  	[sflag:s4] =	ssyncset.done $0x0  }
0x143: {  	[sflag:s4] =	ssyncadd.s32 $0xFFFFFF80  }
0x144: {  	[spmem:s2] =	stream.indirect.scatter.add.f32 [tilespmem:s17], [sflag:$0x1], $0x1, s16, s9, $0xb8;
	[tilespmem:$0xBA08] =	vst v63  }
0x145: {  	_ =	swait.ge [sflag:s4], $0x80  }
0x146: {  	[sflag:s4] =	ssyncset.done $0x0  }
0x147: {  	[sflag:s4] =	ssyncadd.s32 $0xFFFFFF80  }
0x148: {  	[spmem:s2] =	stream.indirect.scatter.add.f32 [tilespmem:s19], [sflag:$0x1], $0x1, s18, s9, $0xb8;
	[tilespmem:$0xBA08] =	vst v63  }
0x149: {  	_ =	swait.ge [sflag:s4], $0x80  }
0x14a: {  	[sflag:s4] =	ssyncset.done $0x0  }
0x14b: {  	[sflag:s4] =	ssyncadd.s32 $0xFFFFFF80  }
0x14c: {  	[spmem:s2] =	stream.indirect.scatter.add.f32 [tilespmem:s21], [sflag:$0x1], $0x1, s20, s9, $0xb8;
	[tilespmem:$0xBA08] =	vst v63  }
0x14d: {  	_ =	swait.ge [sflag:s4], $0x80  }
0x14e: {  	[sflag:s4] =	ssyncset.done $0x0  }
0x14f: {  	[sflag:s4] =	ssyncadd.s32 $0xFFFFFF80  }
0x150: {  	[spmem:s2] =	stream.indirect.scatter.add.f32 [tilespmem:s23], [sflag:$0x1], $0x1, s22, s9, $0xb8;
	[tilespmem:$0xBA08] =	vst v63  }
0x151: {  	_ =	swait.ge [sflag:s4], $0x80  }
0x152: {  	[sflag:s4] =	ssyncset.done $0x0  }
0x153: {  	[sflag:s4] =	ssyncadd.s32 $0xFFFFFF80  }
0x154: {  	[spmem:s2] =	stream.indirect.scatter.add.f32 [tilespmem:s25], [sflag:$0x1], $0x1, s24, s9, $0xb8;
	[tilespmem:$0xBA08] =	vst v63  }
0x155: {  	_ =	swait.ge [sflag:s4], $0x80  }
0x156: {  	[sflag:s4] =	ssyncset.done $0x0  }
0x157: {  	[sflag:s4] =	ssyncadd.s32 $0xFFFFFF80  }
0x158: {  	[spmem:s2] =	stream.indirect.scatter.add.f32 [tilespmem:s28], [sflag:$0x1], $0x1, s26, s9, $0xb8;
	[tilespmem:$0xBA08] =	vst v63  }
0x159: {  	_ =	swait.ge [sflag:s4], $0x80  }
0x15a: {  	[sflag:s4] =	ssyncset.done $0x0  }
0x15b: {  	[sflag:s4] =	ssyncadd.s32 $0xFFFFFF80  }
0x15c: {  	[spmem:s2] =	stream.indirect.scatter.add.f32 [tilespmem:s30], [sflag:$0x1], $0x1, s29, s9, $0xb8;
	[tilespmem:$0xBA08] =	vst v63  }
0x15d: {  	_ =	swait.ge [sflag:s4], $0x80  }
0x15e: {  	[sflag:s4] =	ssyncset.done $0x0  }
0x15f: {  	[sflag:s4] =	ssyncadd.s32 $0xFFFFFF80  }
0x160: {  	s1 =	smul.u32 $0x50000, s31;
	[bflag:$0x0] =	sbarrier.arrive $0xFFFF  }
0x161: {  	[tilespmem:s8], [sflag:$0x1] =	stream.linear.gather [spmem:s7], $0x5000, $0x38;
	[tilespmem:$0xBA08] =	vst v63  }
0x162: {  	s0 =	sadd.s32 s5, s1;
	_ =	swait.ge [sflag:s4], $0x5000  }
0x163: {  	s31 =	sadd.s32 $0x1, s31;
	s0 =	sshrl.u32 s0, $0x3;
	[sflag:s4] =	ssyncset.done $0x0  }
0x164: {  	p0 =	sne.s32 s31, $0x5;
	s0 =	sadd.s32 s6, s0;
	[sflag:s4] =	ssyncadd.s32 $0xFFFFB000  }
0x165: {  	[hbm4b:s0+s3] =	stream.linear.scatter [tilespmem:s8], [sflag:$0x1], $0x5000, $0x38;
	[tilespmem:$0xBA08] =	vst v63  }
.Ltmp1:
0x166: {  	_ =	swait.ge [sflag:s4], $0x5000;
	(pc) =	sbr.rel @p0 .LBB2_1-.Ltmp1, $3  }
0x167: {  	[sflag:s4] =	ssyncset.done $0x0  }
0x168: {  	[sflag:s4] =	ssyncadd.s32 $0xFFFFB000  }
0x169: {  	[bflag:$0x0] =	sbarrier.arrive $0xFFFF;
	_ =	sdelay $0x1  }
0x16a: {  	_ =	sfence.sel $0x180000  }
0x16b: {  	[bflag:$0x0] =	sbarrier.arrive $0xFFFF  }
0x16c: {  	_ =	strace $0x90000047  }
0x16d: {  	s0 =	stileid.u32;
	[bflag:$0x2] =	sbarrier.arrive $0xFFFF  }
0x16e: {  	p0 =	sne.s32 s0, $0x0;
	s0 =	rddreg [dreg:$0x3]  }
0x16f: {  	s0 =	sadd.s32 @!p0 $0x100000, s0  }
0x170: {  	[sflag:s0] =	ssyncadd.tile.s32 @!p0 $0x1;
	_ =	shalt  }
.Lfunc_end2:
_tile_overlayer_lowered:
.L_overlay_start_2:
0x171: {  	(tag) =	ssettag $0x2  }
0x172: {  	s0 =	rddreg [dreg:$0x0];
	s2 =	stileid.u32  }
0x173: {  	s1 =	rddreg [dreg:$0x1];
	p0 =	sne.s32 s2, $0x0  }
0x174: {  	s3 =	rddreg [dreg:$0x2];
	[bflag:$0x3] =	sbarrier.arrive $0xFFFF;
	s2 =	simm.s32 @!p0 $0x1C01  }
0x175: {  	[timem:s3], [sflag:s2] =	dma.local @!p0 [hbm:s0], s1  }
0x176: {  	s0 =	simm.s32 @!p0 $0x1  }
0x177: {  	_ =	swait.ge @!p0 [sflag:s0], s1  }
0x178: {  	s1 =	ssub.s32 @!p0 $0x0, s1;
	[sflag:s0] =	ssyncset.done @!p0 $0x0  }
0x179: {  	[sflag:s0] =	ssyncadd.s32 @!p0 s1  }
0x17a: {  	[bflag:$0x3] =	sbarrier.arrive $0xFFFF  }
0x17b: {  	_ =	shalt  }

</sc_bundles>
